<compile_context>
chip_gen: v7x
topology: tpu7x:2x2x1
jax: 0.10.2.dev20260603
libtpu: 0.0.44.dev20260713+nightly
codegen_flags: <defaults>
</compile_context>

<pallas_src>
import functools

import jax
import jax.numpy as jnp
from jax import lax
from jax.experimental import pallas as pl
from jax.experimental.pallas import tpu as pltpu
from jax.experimental.pallas import tpu_sc as plsc

N = 10000
E = 320000
D = 128
H = 64
HH = H // 2

NC = 2
NS = 16
NW = NC * NS
CH = 125
GD = 80
G = 160
N_PAD = 10240
ROWS_PER_TILE = N_PAD // NS
YROWS_PER_TILE = N // NS
NB = 8
K = 4

_F32 = jnp.float32
_HIGH = jax.lax.Precision.HIGHEST


def _dot(a, b):
    return jnp.dot(a, b, preferred_element_type=_F32, precision=_HIGH)


_MESH = plsc.VectorSubcoreMesh(core_axis_name="c", subcore_axis_name="s")
_SC_PARAMS = pltpu.CompilerParams(use_tc_tiling_on_sc=False)


@functools.partial(
    pl.kernel,
    out_type=jax.ShapeDtypeStruct((NC, N_PAD, HH), _F32),
    mesh=_MESH,
    scratch_types=(
        pltpu.VMEM_SHARED((N_PAD, HH), _F32),
        pltpu.VMEM_SHARED((N, HH), _F32),
        pltpu.VMEM((G, CH), jnp.int32),
        pltpu.VMEM((G, CH), jnp.int32),
        pltpu.VMEM((NB, CH, HH), _F32),
        pltpu.SemaphoreType.DMA((NB,)),
        pltpu.SemaphoreType.DMA((NB,)),
    ),
    compiler_params=_SC_PARAMS)
def _sc_edge_pass(y_hbm, srcp, dstp, z_hbm, acc_out,
                  acc_sh, y_sh, src_v, dst_v, rows_v, gsem, ssem):
    c = lax.axis_index("c")
    s = lax.axis_index("s")
    row0 = s * ROWS_PER_TILE
    yrow0 = s * YROWS_PER_TILE

    pltpu.sync_copy(z_hbm.at[pl.ds(row0, ROWS_PER_TILE)],
                    acc_sh.at[pl.ds(row0, ROWS_PER_TILE)])
    pltpu.sync_copy(y_hbm.at[c, pl.ds(yrow0, YROWS_PER_TILE)],
                    y_sh.at[pl.ds(yrow0, YROWS_PER_TILE)])
    pltpu.sync_copy(srcp.at[s], src_v)
    pltpu.sync_copy(dstp.at[s], dst_v)
    plsc.subcore_barrier()

    for b in range(K):
        pltpu.async_copy(y_sh.at[src_v.at[b]], rows_v.at[b], gsem.at[b])

    def chunk(g, _):
        g2 = g + K
        s2 = lax.rem(g2, NB)

        @pl.when(g2 < G)
        def _prefetch():
            @pl.when(g >= K)
            def _drain_slot():
                pltpu.make_async_copy(
                    rows_v.at[s2], acc_sh.at[dst_v.at[g - K]],
                    ssem.at[s2]).wait()
            pltpu.async_copy(y_sh.at[src_v.at[g2]], rows_v.at[s2],
                             gsem.at[s2])

        b = lax.rem(g, NB)
        pltpu.make_async_copy(y_sh.at[src_v.at[g]], rows_v.at[b],
                              gsem.at[b]).wait()
        pltpu.async_copy(rows_v.at[b], acc_sh.at[dst_v.at[g]],
                         ssem.at[b], add=True)
        return 0

    lax.fori_loop(0, G, chunk, 0)
    for i in range(NB):
        pltpu.make_async_copy(rows_v.at[i], acc_sh.at[dst_v.at[G - NB + i]],
                              ssem.at[i]).wait()
    plsc.subcore_barrier()

    pltpu.sync_copy(acc_sh.at[pl.ds(row0, ROWS_PER_TILE)],
                    acc_out.at[c, pl.ds(row0, ROWS_PER_TILE)])


@functools.partial(
    pl.kernel,
    out_type=jax.ShapeDtypeStruct((NC, N_PAD, 16), _F32),
    mesh=_MESH,
    scratch_types=(
        pltpu.VMEM_SHARED((N_PAD, 16), _F32),
        pltpu.VMEM((GD, CH), jnp.int32),
        pltpu.VMEM((CH, 16), _F32),
        pltpu.SemaphoreType.DMA,
    ),
    compiler_params=_SC_PARAMS)
def _sc_deg_pass(dstp, z16_hbm, ones_hbm, deg_out, deg_sh, dst_v, ones_v,
                 dsem):
    c = lax.axis_index("c")
    s = lax.axis_index("s")
    w = c * NS + s
    row0 = s * ROWS_PER_TILE

    pltpu.sync_copy(z16_hbm.at[pl.ds(row0, ROWS_PER_TILE)],
                    deg_sh.at[pl.ds(row0, ROWS_PER_TILE)])
    pltpu.sync_copy(dstp.at[w], dst_v)
    pltpu.sync_copy(ones_hbm, ones_v)
    plsc.subcore_barrier()

    def fire(g, _):
        pltpu.async_copy(ones_v, deg_sh.at[dst_v.at[g]], dsem, add=True)
        return 0

    lax.fori_loop(0, GD, fire, 0)

    def drain(g, _):
        pltpu.make_async_copy(ones_v, deg_sh.at[dst_v.at[g]], dsem).wait()
        return 0

    lax.fori_loop(0, GD, drain, 0)
    plsc.subcore_barrier()

    pltpu.sync_copy(deg_sh.at[pl.ds(row0, ROWS_PER_TILE)],
                    deg_out.at[c, pl.ds(row0, ROWS_PER_TILE)])


def _pre_body(x_ref, wl_ref, wr_ref, b_ref, y_ref, r_ref):
    x = x_ref[...]
    y = _dot(x, wl_ref[...])
    y_ref[0] = y[:, :HH]
    y_ref[1] = y[:, HH:]
    r_ref[...] = _dot(x, wr_ref[...]) + b_ref[...]


def _mid_body(acc_ref, deg_ref, r_ref, wl_ref, wr_ref, b_ref, y_ref, r1_ref):
    acc = jnp.concatenate([acc_ref[0], acc_ref[1]], axis=1)
    deg = deg_ref[0, :, 0:1] + deg_ref[1, :, 0:1]
    mean = acc / jnp.maximum(deg, 1.0)
    h = jnp.maximum(mean + r_ref[...], 0.0)
    y = _dot(h, wl_ref[...])
    y_ref[0] = y[:, :HH]
    y_ref[1] = y[:, HH:]
    r1_ref[...] = _dot(h, wr_ref[...]) + b_ref[...]


def _fin_body(acc_ref, deg_ref, r_ref, w_ref, b_ref, o_ref):
    acc = jnp.concatenate([acc_ref[0], acc_ref[1]], axis=1)
    deg = deg_ref[0, :, 0:1] + deg_ref[1, :, 0:1]
    mean = acc / jnp.maximum(deg, 1.0)
    h = jnp.maximum(mean + r_ref[...], 0.0)
    o_ref[...] = _dot(h, w_ref[...]) + b_ref[...]


_pre_call = pl.pallas_call(
    _pre_body,
    out_shape=(jax.ShapeDtypeStruct((NC, N, HH), _F32),
               jax.ShapeDtypeStruct((N, H), _F32)))

_B = 2000

_mid_call = pl.pallas_call(
    _mid_body,
    grid=(N // _B,),
    in_specs=[
        pl.BlockSpec((NC, _B, HH), lambda i: (0, i, 0)),
        pl.BlockSpec((NC, _B, 16), lambda i: (0, i, 0)),
        pl.BlockSpec((_B, H), lambda i: (i, 0)),
        pl.BlockSpec((H, H), lambda i: (0, 0)),
        pl.BlockSpec((H, H), lambda i: (0, 0)),
        pl.BlockSpec((1, H), lambda i: (0, 0)),
    ],
    out_specs=(pl.BlockSpec((NC, _B, HH), lambda i: (0, i, 0)),
               pl.BlockSpec((_B, H), lambda i: (i, 0))),
    out_shape=(jax.ShapeDtypeStruct((NC, N, HH), _F32),
               jax.ShapeDtypeStruct((N, H), _F32)))

_fin_call = pl.pallas_call(
    _fin_body,
    grid=(N // _B,),
    in_specs=[
        pl.BlockSpec((NC, _B, HH), lambda i: (0, i, 0)),
        pl.BlockSpec((NC, _B, 16), lambda i: (0, i, 0)),
        pl.BlockSpec((_B, H), lambda i: (i, 0)),
        pl.BlockSpec((H, 1), lambda i: (0, 0)),
        pl.BlockSpec((1, 1), lambda i: (0, 0)),
    ],
    out_specs=pl.BlockSpec((_B, 1), lambda i: (i, 0)),
    out_shape=jax.ShapeDtypeStruct((N, 1), _F32))


def kernel(x, edge_index, Wl0, Wr0, b0, Wl1, Wr1, b1, lin_w, lin_b):
    srcp = edge_index[0].reshape(NS, G, CH)
    dstp = edge_index[1].reshape(NS, G, CH)
    dstp_deg = edge_index[1].reshape(NW, GD, CH)

    zeros = jnp.zeros((N_PAD, HH), _F32)
    zeros16 = jnp.zeros((N_PAD, 16), _F32)
    ones = jnp.ones((CH, 16), _F32)

    deg0 = _sc_deg_pass(dstp_deg, zeros16, ones)
    y0, r0 = _pre_call(x, Wl0, Wr0, b0.reshape(1, H))
    acc0 = _sc_edge_pass(y0, srcp, dstp, zeros)
    y1, r1 = _mid_call(acc0, deg0, r0, Wl1, Wr1, b1.reshape(1, H))
    acc1 = _sc_edge_pass(y1, srcp, dstp, zeros)
    out = _fin_call(acc1, deg0, r1, lin_w, lin_b.reshape(1, 1))
    return out[:, 0]

# --- scband reference (transcript-rebuilt; emitter-appended) ---
"""Pipeline reference for scband-graph-sagenet-15367392985610 (READ-ONLY COPY).

The authoritative reference and input builder live on the scoring server;
editing this copy changes nothing except your own understanding.
"""

import jax, jax.numpy as jnp
import numpy as np

N = 10000
E = 320000
D = 128
H = 64


def setup_inputs(seed: int = 0) -> dict:
    key = jax.random.key(seed)
    ks = jax.random.split(key, 12)
    x = jax.random.normal(ks[0], (N, D), dtype=jnp.float32)
    edge_index = jax.random.randint(ks[1], (2, E), 0, N, dtype=jnp.int32)
    # SAGEConv layer 0: in=D, out=H  (lin_l on aggregated neighbors, lin_r on root)
    Wl0 = jax.random.normal(ks[2], (D, H), dtype=jnp.float32) * 0.05
    Wr0 = jax.random.normal(ks[3], (D, H), dtype=jnp.float32) * 0.05
    b0 = jnp.zeros((H,), dtype=jnp.float32)
    # SAGEConv layer 1: in=H, out=H
    Wl1 = jax.random.normal(ks[4], (H, H), dtype=jnp.float32) * 0.05
    Wr1 = jax.random.normal(ks[5], (H, H), dtype=jnp.float32) * 0.05
    b1 = jnp.zeros((H,), dtype=jnp.float32)
    # final linear: H -> 1
    lin_w = jax.random.normal(ks[6], (H, 1), dtype=jnp.float32) * 0.05
    lin_b = jnp.zeros((1,), dtype=jnp.float32)
    return {"x": x, "edge_index": edge_index, "Wl0": Wl0, "Wr0": Wr0, "b0": b0,
            "Wl1": Wl1, "Wr1": Wr1, "b1": b1, "lin_w": lin_w, "lin_b": lin_b}


def _sage_conv(x, edge_index, Wl, Wr, b):
    # mean aggregation over incoming neighbors, then lin_l(agg) + lin_r(root) + bias
    src = edge_index[0]
    dst = edge_index[1]
    msgs = jnp.take(x, src, axis=0)
    agg = jax.ops.segment_sum(msgs, dst, num_segments=N)
    deg = jax.ops.segment_sum(jnp.ones((edge_index.shape[1],), dtype=x.dtype), dst, num_segments=N)
    mean = agg / jnp.maximum(deg, 1.0)[:, None]
    return mean @ Wl + x @ Wr + b


def reference(x, edge_index, Wl0, Wr0, b0, Wl1, Wr1, b1, lin_w, lin_b):
    # eval mode: dropout is identity
    h = jax.nn.relu(_sage_conv(x, edge_index, Wl0, Wr0, b0))
    h = jax.nn.relu(_sage_conv(h, edge_index, Wl1, Wr1, b1))
    logits = (h @ lin_w + lin_b).squeeze(-1)
    return logits

if __name__ == "__main__":
    import jax
    _d = setup_inputs()
    print(jax.jit(kernel)(*tuple(_d.values())))

</pallas_src>

<mosaic_0001>
#map = affine_map<(d0, d1) -> (0, 0, 0)>
#map1 = affine_map<(d0, d1) -> (0, 0)>
module attributes {stable_mosaic.version = 14 : i64} {
  func.func @_sc_deg_pass(%arg0: i32, %arg1: i32, %arg2: memref<32x80x125xi32, #tpu.memory_space<hbm>>, %arg3: memref<10240x16xf32, #tpu.memory_space<hbm>>, %arg4: memref<125x16xf32, #tpu.memory_space<hbm>>, %arg5: memref<2x10240x16xf32, #tpu.memory_space<hbm>>, %arg6: memref<10240x16xf32, #tpu.memory_space<vmem_shared>>, %arg7: memref<80x125xi32, #tpu.memory_space<vmem>>, %arg8: memref<125x16xf32, #tpu.memory_space<vmem>>, %arg9: memref<!tpu.dma_semaphore, #tpu.memory_space<semaphore_mem>>) attributes {dimension_semantics = [#tpu.dimension_semantics<core_parallel>, #tpu.dimension_semantics<subcore_parallel>], iteration_bounds = array<i64: 2, 16>, scalar_prefetch = 0 : i64, scratch_operands = 4 : i64, tpu.core_type = #tpu.core_type<sc_vector_subcore>, window_params = [{transform_indices = #map}, {transform_indices = #map1}, {transform_indices = #map1}, {transform_indices = #map}]} {
    %mul3A = arith.constant 16 : i32
    %mul3A_0 = arith.muli %arg0, %mul3A : i32
    %add3A = arith.addi %mul3A_0, %arg1 : i32
    %mul3A_1 = arith.constant 640 : i32
    %mul3A_2 = arith.muli %arg1, %mul3A_1 : i32
    "tpu.region"() ({
      %run_scoped3A = tpu.sem_alloc : memref<!tpu.dma_semaphore, #tpu.memory_space<semaphore_mem>>
      %dma_start3A = arith.constant 0 : i32
      %dma_start3A_17 = tpu.memref_slice %arg6[%mul3A_2, %dma_start3A] : memref<10240x16xf32, #tpu.memory_space<vmem_shared>> -> memref<640x16xf32, #tpu.memory_space<vmem_shared>>
      %dma_start3A_18 = arith.constant 0 : i32
      %dma_start3A_19 = tpu.memref_slice %arg3[%mul3A_2, %dma_start3A_18] : memref<10240x16xf32, #tpu.memory_space<hbm>> -> memref<640x16xf32, #tpu.memory_space<hbm>>
      tpu.enqueue_dma source(%dma_start3A_19 : memref<640x16xf32, #tpu.memory_space<hbm>>) target(%dma_start3A_17 : memref<640x16xf32, #tpu.memory_space<vmem_shared>>) target_semaphore(%run_scoped3A : memref<!tpu.dma_semaphore, #tpu.memory_space<semaphore_mem>>)
      %dma_wait3A = arith.constant 0 : i32
      %dma_wait3A_20 = tpu.memref_slice %arg6[%mul3A_2, %dma_wait3A] : memref<10240x16xf32, #tpu.memory_space<vmem_shared>> -> memref<640x16xf32, #tpu.memory_space<vmem_shared>>
      %dma_wait3A_21 = arith.constant 0 : i32
      %dma_wait3A_22 = tpu.memref_slice %arg3[%mul3A_2, %dma_wait3A_21] : memref<10240x16xf32, #tpu.memory_space<hbm>> -> memref<640x16xf32, #tpu.memory_space<hbm>>
      tpu.wait_dma2 semaphore(%run_scoped3A : memref<!tpu.dma_semaphore, #tpu.memory_space<semaphore_mem>>) src(%dma_wait3A_22 : memref<640x16xf32, #tpu.memory_space<hbm>>) dst(%dma_wait3A_20 : memref<640x16xf32, #tpu.memory_space<vmem_shared>>)
      tpu.yield
    }) : () -> ()
    "tpu.region"() ({
      %run_scoped3A = tpu.sem_alloc : memref<!tpu.dma_semaphore, #tpu.memory_space<semaphore_mem>>
      %dma_start3A = arith.constant 0 : i32
      %dma_start3A_17 = arith.constant 0 : i32
      %dma_start3A_18 = tpu.memref_slice %arg2[%add3A, %dma_start3A, %dma_start3A_17] : memref<32x80x125xi32, #tpu.memory_space<hbm>> -> memref<1x80x125xi32, #tpu.memory_space<hbm>>
      %dma_start3A_19 = tpu.memref_squeeze %dma_start3A_18 : memref<1x80x125xi32, #tpu.memory_space<hbm>> -> memref<80x125xi32, #tpu.memory_space<hbm>>
      %dma_start3A_20 = arith.constant 0 : i32
      %dma_start3A_21 = arith.constant 0 : i32
      %dma_start3A_22 = tpu.memref_slice %arg2[%add3A, %dma_start3A_20, %dma_start3A_21] : memref<32x80x125xi32, #tpu.memory_space<hbm>> -> memref<1x80x125xi32, #tpu.memory_space<hbm>>
      %dma_start3A_23 = tpu.memref_squeeze %dma_start3A_22 : memref<1x80x125xi32, #tpu.memory_space<hbm>> -> memref<80x125xi32, #tpu.memory_space<hbm>>
      tpu.enqueue_dma source(%dma_start3A_23 : memref<80x125xi32, #tpu.memory_space<hbm>>) target(%arg7 : memref<80x125xi32, #tpu.memory_space<vmem>>) target_semaphore(%run_scoped3A : memref<!tpu.dma_semaphore, #tpu.memory_space<semaphore_mem>>)
      %dma_wait3A = arith.constant 0 : i32
      %dma_wait3A_24 = arith.constant 0 : i32
      %dma_wait3A_25 = tpu.memref_slice %arg2[%add3A, %dma_wait3A, %dma_wait3A_24] : memref<32x80x125xi32, #tpu.memory_space<hbm>> -> memref<1x80x125xi32, #tpu.memory_space<hbm>>
      %dma_wait3A_26 = tpu.memref_squeeze %dma_wait3A_25 : memref<1x80x125xi32, #tpu.memory_space<hbm>> -> memref<80x125xi32, #tpu.memory_space<hbm>>
      %dma_wait3A_27 = arith.constant 0 : i32
      %dma_wait3A_28 = arith.constant 0 : i32
      %dma_wait3A_29 = tpu.memref_slice %arg2[%add3A, %dma_wait3A_27, %dma_wait3A_28] : memref<32x80x125xi32, #tpu.memory_space<hbm>> -> memref<1x80x125xi32, #tpu.memory_space<hbm>>
      %dma_wait3A_30 = tpu.memref_squeeze %dma_wait3A_29 : memref<1x80x125xi32, #tpu.memory_space<hbm>> -> memref<80x125xi32, #tpu.memory_space<hbm>>
      tpu.wait_dma2 semaphore(%run_scoped3A : memref<!tpu.dma_semaphore, #tpu.memory_space<semaphore_mem>>) src(%dma_wait3A_30 : memref<80x125xi32, #tpu.memory_space<hbm>>) dst(%arg7 : memref<80x125xi32, #tpu.memory_space<vmem>>)
      tpu.yield
    }) : () -> ()
    "tpu.region"() ({
      %run_scoped3A = tpu.sem_alloc : memref<!tpu.dma_semaphore, #tpu.memory_space<semaphore_mem>>
      tpu.enqueue_dma source(%arg4 : memref<125x16xf32, #tpu.memory_space<hbm>>) target(%arg8 : memref<125x16xf32, #tpu.memory_space<vmem>>) target_semaphore(%run_scoped3A : memref<!tpu.dma_semaphore, #tpu.memory_space<semaphore_mem>>)
      tpu.wait_dma2 semaphore(%run_scoped3A : memref<!tpu.dma_semaphore, #tpu.memory_space<semaphore_mem>>) src(%arg4 : memref<125x16xf32, #tpu.memory_space<hbm>>) dst(%arg8 : memref<125x16xf32, #tpu.memory_space<vmem>>)
      tpu.yield
    }) : () -> ()
    %barrier3A = arith.constant 0 : index
    tpu.barrier barrier_id(%barrier3A)
    %scan3A = arith.constant 0 : i32
    %scan3A_3 = arith.constant 0 : i32
    %scan3A_4 = arith.constant 80 : i32
    %scan3A_5 = arith.addi %scan3A_3, %scan3A_4 : i32
    %scan3A_6 = arith.constant 1 : i32
    %scan3A_7 = scf.for %scan3A_17 = %scan3A_3 to %scan3A_5 step %scan3A_6 iter_args(%scan3A_18 = %scan3A) -> (i32)  : i32 {
      %dma_start3A = arith.constant 0 : i32
      %dma_start3A_19 = tpu.memref_slice %arg7[%scan3A_17, %dma_start3A] : memref<80x125xi32, #tpu.memory_space<vmem>> -> memref<1x125xi32, #tpu.memory_space<vmem>>
      %dma_start3A_20 = tpu.memref_squeeze %dma_start3A_19 : memref<1x125xi32, #tpu.memory_space<vmem>> -> memref<125xi32, #tpu.memory_space<vmem>>
      %dma_start3A_21 = arith.constant 0 : i32
      %dma_start3A_22 = arith.constant 0 : i32
      %dma_start3A_23 = tpu.memref_slice %arg6[%dma_start3A_21, %dma_start3A_22] : memref<10240x16xf32, #tpu.memory_space<vmem_shared>> -> memref<10240x16xf32, #tpu.memory_space<vmem_shared>>
      tpu.enqueue_indirect_dma source(%arg8 : memref<125x16xf32, #tpu.memory_space<vmem>>) target(%dma_start3A_23 : memref<10240x16xf32, #tpu.memory_space<vmem_shared>>) offsets(%dma_start3A_20 : memref<125xi32, #tpu.memory_space<vmem>>) semaphore(%arg9 : memref<!tpu.dma_semaphore, #tpu.memory_space<semaphore_mem>>) {add = true}
      %scan3A_24 = arith.constant 0 : i32
      scf.yield %scan3A_24 : i32
    }
    %scan3A_8 = arith.constant 80 : i32
    %scan3A_9 = arith.constant 0 : i32
    %scan3A_10 = arith.constant 0 : i32
    %scan3A_11 = arith.constant 80 : i32
    %scan3A_12 = arith.addi %scan3A_10, %scan3A_11 : i32
    %scan3A_13 = arith.constant 1 : i32
    %scan3A_14 = scf.for %scan3A_17 = %scan3A_10 to %scan3A_12 step %scan3A_13 iter_args(%scan3A_18 = %scan3A_9) -> (i32)  : i32 {
      %dma_wait3A = arith.constant 0 : i32
      %dma_wait3A_19 = tpu.memref_slice %arg7[%scan3A_17, %dma_wait3A] : memref<80x125xi32, #tpu.memory_space<vmem>> -> memref<1x125xi32, #tpu.memory_space<vmem>>
      %dma_wait3A_20 = tpu.memref_squeeze %dma_wait3A_19 : memref<1x125xi32, #tpu.memory_space<vmem>> -> memref<125xi32, #tpu.memory_space<vmem>>
      %dma_wait3A_21 = arith.constant 0 : i32
      %dma_wait3A_22 = arith.constant 0 : i32
      %dma_wait3A_23 = tpu.memref_slice %arg6[%dma_wait3A_21, %dma_wait3A_22] : memref<10240x16xf32, #tpu.memory_space<vmem_shared>> -> memref<10240x16xf32, #tpu.memory_space<vmem_shared>>
      tpu.wait_indirect_dma semaphore(%arg9 : memref<!tpu.dma_semaphore, #tpu.memory_space<semaphore_mem>>) src(%arg8 : memref<125x16xf32, #tpu.memory_space<vmem>>) dst(%dma_wait3A_23 : memref<10240x16xf32, #tpu.memory_space<vmem_shared>>)
      %scan3A_24 = arith.constant 0 : i32
      scf.yield %scan3A_24 : i32
    }
    %scan3A_15 = arith.constant 80 : i32
    %barrier3A_16 = arith.constant 0 : index
    tpu.barrier barrier_id(%barrier3A_16)
    "tpu.region"() ({
      %run_scoped3A = tpu.sem_alloc : memref<!tpu.dma_semaphore, #tpu.memory_space<semaphore_mem>>
      %dma_start3A = arith.constant 0 : i32
      %dma_start3A_17 = tpu.memref_slice %arg5[%arg0, %mul3A_2, %dma_start3A] : memref<2x10240x16xf32, #tpu.memory_space<hbm>> -> memref<1x640x16xf32, #tpu.memory_space<hbm>>
      %dma_start3A_18 = tpu.memref_squeeze %dma_start3A_17 : memref<1x640x16xf32, #tpu.memory_space<hbm>> -> memref<640x16xf32, #tpu.memory_space<hbm>>
      %dma_start3A_19 = arith.constant 0 : i32
      %dma_start3A_20 = tpu.memref_slice %arg6[%mul3A_2, %dma_start3A_19] : memref<10240x16xf32, #tpu.memory_space<vmem_shared>> -> memref<640x16xf32, #tpu.memory_space<vmem_shared>>
      tpu.enqueue_dma source(%dma_start3A_20 : memref<640x16xf32, #tpu.memory_space<vmem_shared>>) target(%dma_start3A_18 : memref<640x16xf32, #tpu.memory_space<hbm>>) target_semaphore(%run_scoped3A : memref<!tpu.dma_semaphore, #tpu.memory_space<semaphore_mem>>)
      %dma_wait3A = arith.constant 0 : i32
      %dma_wait3A_21 = tpu.memref_slice %arg5[%arg0, %mul3A_2, %dma_wait3A] : memref<2x10240x16xf32, #tpu.memory_space<hbm>> -> memref<1x640x16xf32, #tpu.memory_space<hbm>>
      %dma_wait3A_22 = tpu.memref_squeeze %dma_wait3A_21 : memref<1x640x16xf32, #tpu.memory_space<hbm>> -> memref<640x16xf32, #tpu.memory_space<hbm>>
      %dma_wait3A_23 = arith.constant 0 : i32
      %dma_wait3A_24 = tpu.memref_slice %arg6[%mul3A_2, %dma_wait3A_23] : memref<10240x16xf32, #tpu.memory_space<vmem_shared>> -> memref<640x16xf32, #tpu.memory_space<vmem_shared>>
      tpu.wait_dma2 semaphore(%run_scoped3A : memref<!tpu.dma_semaphore, #tpu.memory_space<semaphore_mem>>) src(%dma_wait3A_24 : memref<640x16xf32, #tpu.memory_space<vmem_shared>>) dst(%dma_wait3A_22 : memref<640x16xf32, #tpu.memory_space<hbm>>)
      tpu.yield
    }) : () -> ()
    return
  }
}

#map = affine_map<(d0, d1) -> (0, 0, 0)>
#map1 = affine_map<(d0, d1) -> (0, 0)>
module attributes {stable_mosaic.version = 14 : i64} {
  func.func @_sc_edge_pass(%arg0: i32, %arg1: i32, %arg2: memref<2x10000x32xf32, #tpu.memory_space<hbm>>, %arg3: memref<16x160x125xi32, #tpu.memory_space<hbm>>, %arg4: memref<16x160x125xi32, #tpu.memory_space<hbm>>, %arg5: memref<10240x32xf32, #tpu.memory_space<hbm>>, %arg6: memref<2x10240x32xf32, #tpu.memory_space<hbm>>, %arg7: memref<10240x32xf32, #tpu.memory_space<vmem_shared>>, %arg8: memref<10000x32xf32, #tpu.memory_space<vmem_shared>>, %arg9: memref<160x125xi32, #tpu.memory_space<vmem>>, %arg10: memref<160x125xi32, #tpu.memory_space<vmem>>, %arg11: memref<8x125x32xf32, #tpu.memory_space<vmem>>, %arg12: memref<8x!tpu.dma_semaphore, #tpu.memory_space<semaphore_mem>>, %arg13: memref<8x!tpu.dma_semaphore, #tpu.memory_space<semaphore_mem>>) attributes {dimension_semantics = [#tpu.dimension_semantics<core_parallel>, #tpu.dimension_semantics<subcore_parallel>], iteration_bounds = array<i64: 2, 16>, scalar_prefetch = 0 : i64, scratch_operands = 7 : i64, tpu.core_type = #tpu.core_type<sc_vector_subcore>, window_params = [{transform_indices = #map}, {transform_indices = #map}, {transform_indices = #map}, {transform_indices = #map1}, {transform_indices = #map}]} {
    %mul3A = arith.constant 640 : i32
    %mul3A_0 = arith.muli %arg1, %mul3A : i32
    %mul3A_1 = arith.constant 625 : i32
    %mul3A_2 = arith.muli %arg1, %mul3A_1 : i32
    "tpu.region"() ({
      %run_scoped3A = tpu.sem_alloc : memref<!tpu.dma_semaphore, #tpu.memory_space<semaphore_mem>>
      %dma_start3A_188 = arith.constant 0 : i32
      %dma_start3A_189 = tpu.memref_slice %arg7[%mul3A_0, %dma_start3A_188] : memref<10240x32xf32, #tpu.memory_space<vmem_shared>> -> memref<640x32xf32, #tpu.memory_space<vmem_shared>>
      %dma_start3A_190 = arith.constant 0 : i32
      %dma_start3A_191 = tpu.memref_slice %arg5[%mul3A_0, %dma_start3A_190] : memref<10240x32xf32, #tpu.memory_space<hbm>> -> memref<640x32xf32, #tpu.memory_space<hbm>>
      tpu.enqueue_dma source(%dma_start3A_191 : memref<640x32xf32, #tpu.memory_space<hbm>>) target(%dma_start3A_189 : memref<640x32xf32, #tpu.memory_space<vmem_shared>>) target_semaphore(%run_scoped3A : memref<!tpu.dma_semaphore, #tpu.memory_space<semaphore_mem>>)
      %dma_wait3A_192 = arith.constant 0 : i32
      %dma_wait3A_193 = tpu.memref_slice %arg7[%mul3A_0, %dma_wait3A_192] : memref<10240x32xf32, #tpu.memory_space<vmem_shared>> -> memref<640x32xf32, #tpu.memory_space<vmem_shared>>
      %dma_wait3A_194 = arith.constant 0 : i32
      %dma_wait3A_195 = tpu.memref_slice %arg5[%mul3A_0, %dma_wait3A_194] : memref<10240x32xf32, #tpu.memory_space<hbm>> -> memref<640x32xf32, #tpu.memory_space<hbm>>
      tpu.wait_dma2 semaphore(%run_scoped3A : memref<!tpu.dma_semaphore, #tpu.memory_space<semaphore_mem>>) src(%dma_wait3A_195 : memref<640x32xf32, #tpu.memory_space<hbm>>) dst(%dma_wait3A_193 : memref<640x32xf32, #tpu.memory_space<vmem_shared>>)
      tpu.yield
    }) : () -> ()
    "tpu.region"() ({
      %run_scoped3A = tpu.sem_alloc : memref<!tpu.dma_semaphore, #tpu.memory_space<semaphore_mem>>
      %dma_start3A_188 = arith.constant 0 : i32
      %dma_start3A_189 = tpu.memref_slice %arg8[%mul3A_2, %dma_start3A_188] : memref<10000x32xf32, #tpu.memory_space<vmem_shared>> -> memref<625x32xf32, #tpu.memory_space<vmem_shared>>
      %dma_start3A_190 = arith.constant 0 : i32
      %dma_start3A_191 = tpu.memref_slice %arg2[%arg0, %mul3A_2, %dma_start3A_190] : memref<2x10000x32xf32, #tpu.memory_space<hbm>> -> memref<1x625x32xf32, #tpu.memory_space<hbm>>
      %dma_start3A_192 = tpu.memref_squeeze %dma_start3A_191 : memref<1x625x32xf32, #tpu.memory_space<hbm>> -> memref<625x32xf32, #tpu.memory_space<hbm>>
      tpu.enqueue_dma source(%dma_start3A_192 : memref<625x32xf32, #tpu.memory_space<hbm>>) target(%dma_start3A_189 : memref<625x32xf32, #tpu.memory_space<vmem_shared>>) target_semaphore(%run_scoped3A : memref<!tpu.dma_semaphore, #tpu.memory_space<semaphore_mem>>)
      %dma_wait3A_193 = arith.constant 0 : i32
      %dma_wait3A_194 = tpu.memref_slice %arg8[%mul3A_2, %dma_wait3A_193] : memref<10000x32xf32, #tpu.memory_space<vmem_shared>> -> memref<625x32xf32, #tpu.memory_space<vmem_shared>>
      %dma_wait3A_195 = arith.constant 0 : i32
      %dma_wait3A_196 = tpu.memref_slice %arg2[%arg0, %mul3A_2, %dma_wait3A_195] : memref<2x10000x32xf32, #tpu.memory_space<hbm>> -> memref<1x625x32xf32, #tpu.memory_space<hbm>>
      %dma_wait3A_197 = tpu.memref_squeeze %dma_wait3A_196 : memref<1x625x32xf32, #tpu.memory_space<hbm>> -> memref<625x32xf32, #tpu.memory_space<hbm>>
      tpu.wait_dma2 semaphore(%run_scoped3A : memref<!tpu.dma_semaphore, #tpu.memory_space<semaphore_mem>>) src(%dma_wait3A_197 : memref<625x32xf32, #tpu.memory_space<hbm>>) dst(%dma_wait3A_194 : memref<625x32xf32, #tpu.memory_space<vmem_shared>>)
      tpu.yield
    }) : () -> ()
    "tpu.region"() ({
      %run_scoped3A = tpu.sem_alloc : memref<!tpu.dma_semaphore, #tpu.memory_space<semaphore_mem>>
      %dma_start3A_188 = arith.constant 0 : i32
      %dma_start3A_189 = arith.constant 0 : i32
      %dma_start3A_190 = tpu.memref_slice %arg3[%arg1, %dma_start3A_188, %dma_start3A_189] : memref<16x160x125xi32, #tpu.memory_space<hbm>> -> memref<1x160x125xi32, #tpu.memory_space<hbm>>
      %dma_start3A_191 = tpu.memref_squeeze %dma_start3A_190 : memref<1x160x125xi32, #tpu.memory_space<hbm>> -> memref<160x125xi32, #tpu.memory_space<hbm>>
      %dma_start3A_192 = arith.constant 0 : i32
      %dma_start3A_193 = arith.constant 0 : i32
      %dma_start3A_194 = tpu.memref_slice %arg3[%arg1, %dma_start3A_192, %dma_start3A_193] : memref<16x160x125xi32, #tpu.memory_space<hbm>> -> memref<1x160x125xi32, #tpu.memory_space<hbm>>
      %dma_start3A_195 = tpu.memref_squeeze %dma_start3A_194 : memref<1x160x125xi32, #tpu.memory_space<hbm>> -> memref<160x125xi32, #tpu.memory_space<hbm>>
      tpu.enqueue_dma source(%dma_start3A_195 : memref<160x125xi32, #tpu.memory_space<hbm>>) target(%arg9 : memref<160x125xi32, #tpu.memory_space<vmem>>) target_semaphore(%run_scoped3A : memref<!tpu.dma_semaphore, #tpu.memory_space<semaphore_mem>>)
      %dma_wait3A_196 = arith.constant 0 : i32
      %dma_wait3A_197 = arith.constant 0 : i32
      %dma_wait3A_198 = tpu.memref_slice %arg3[%arg1, %dma_wait3A_196, %dma_wait3A_197] : memref<16x160x125xi32, #tpu.memory_space<hbm>> -> memref<1x160x125xi32, #tpu.memory_space<hbm>>
      %dma_wait3A_199 = tpu.memref_squeeze %dma_wait3A_198 : memref<1x160x125xi32, #tpu.memory_space<hbm>> -> memref<160x125xi32, #tpu.memory_space<hbm>>
      %dma_wait3A_200 = arith.constant 0 : i32
      %dma_wait3A_201 = arith.constant 0 : i32
      %dma_wait3A_202 = tpu.memref_slice %arg3[%arg1, %dma_wait3A_200, %dma_wait3A_201] : memref<16x160x125xi32, #tpu.memory_space<hbm>> -> memref<1x160x125xi32, #tpu.memory_space<hbm>>
      %dma_wait3A_203 = tpu.memref_squeeze %dma_wait3A_202 : memref<1x160x125xi32, #tpu.memory_space<hbm>> -> memref<160x125xi32, #tpu.memory_space<hbm>>
      tpu.wait_dma2 semaphore(%run_scoped3A : memref<!tpu.dma_semaphore, #tpu.memory_space<semaphore_mem>>) src(%dma_wait3A_203 : memref<160x125xi32, #tpu.memory_space<hbm>>) dst(%arg9 : memref<160x125xi32, #tpu.memory_space<vmem>>)
      tpu.yield
    }) : () -> ()
    "tpu.region"() ({
      %run_scoped3A = tpu.sem_alloc : memref<!tpu.dma_semaphore, #tpu.memory_space<semaphore_mem>>
      %dma_start3A_188 = arith.constant 0 : i32
      %dma_start3A_189 = arith.constant 0 : i32
      %dma_start3A_190 = tpu.memref_slice %arg4[%arg1, %dma_start3A_188, %dma_start3A_189] : memref<16x160x125xi32, #tpu.memory_space<hbm>> -> memref<1x160x125xi32, #tpu.memory_space<hbm>>
      %dma_start3A_191 = tpu.memref_squeeze %dma_start3A_190 : memref<1x160x125xi32, #tpu.memory_space<hbm>> -> memref<160x125xi32, #tpu.memory_space<hbm>>
      %dma_start3A_192 = arith.constant 0 : i32
      %dma_start3A_193 = arith.constant 0 : i32
      %dma_start3A_194 = tpu.memref_slice %arg4[%arg1, %dma_start3A_192, %dma_start3A_193] : memref<16x160x125xi32, #tpu.memory_space<hbm>> -> memref<1x160x125xi32, #tpu.memory_space<hbm>>
      %dma_start3A_195 = tpu.memref_squeeze %dma_start3A_194 : memref<1x160x125xi32, #tpu.memory_space<hbm>> -> memref<160x125xi32, #tpu.memory_space<hbm>>
      tpu.enqueue_dma source(%dma_start3A_195 : memref<160x125xi32, #tpu.memory_space<hbm>>) target(%arg10 : memref<160x125xi32, #tpu.memory_space<vmem>>) target_semaphore(%run_scoped3A : memref<!tpu.dma_semaphore, #tpu.memory_space<semaphore_mem>>)
      %dma_wait3A_196 = arith.constant 0 : i32
      %dma_wait3A_197 = arith.constant 0 : i32
      %dma_wait3A_198 = tpu.memref_slice %arg4[%arg1, %dma_wait3A_196, %dma_wait3A_197] : memref<16x160x125xi32, #tpu.memory_space<hbm>> -> memref<1x160x125xi32, #tpu.memory_space<hbm>>
      %dma_wait3A_199 = tpu.memref_squeeze %dma_wait3A_198 : memref<1x160x125xi32, #tpu.memory_space<hbm>> -> memref<160x125xi32, #tpu.memory_space<hbm>>
      %dma_wait3A_200 = arith.constant 0 : i32
      %dma_wait3A_201 = arith.constant 0 : i32
      %dma_wait3A_202 = tpu.memref_slice %arg4[%arg1, %dma_wait3A_200, %dma_wait3A_201] : memref<16x160x125xi32, #tpu.memory_space<hbm>> -> memref<1x160x125xi32, #tpu.memory_space<hbm>>
      %dma_wait3A_203 = tpu.memref_squeeze %dma_wait3A_202 : memref<1x160x125xi32, #tpu.memory_space<hbm>> -> memref<160x125xi32, #tpu.memory_space<hbm>>
      tpu.wait_dma2 semaphore(%run_scoped3A : memref<!tpu.dma_semaphore, #tpu.memory_space<semaphore_mem>>) src(%dma_wait3A_203 : memref<160x125xi32, #tpu.memory_space<hbm>>) dst(%arg10 : memref<160x125xi32, #tpu.memory_space<vmem>>)
      tpu.yield
    }) : () -> ()
    %barrier3A = arith.constant 0 : index
    tpu.barrier barrier_id(%barrier3A)
    %dma_start3A = arith.constant 0 : i32
    %dma_start3A_3 = arith.constant 0 : i32
    %dma_start3A_4 = arith.constant 0 : i32
    %dma_start3A_5 = arith.constant 0 : i32
    %dma_start3A_6 = arith.constant 0 : i32
    %dma_start3A_7 = tpu.memref_slice %arg11[%dma_start3A_3, %dma_start3A_5, %dma_start3A_6] : memref<8x125x32xf32, #tpu.memory_space<vmem>> -> memref<1x125x32xf32, #tpu.memory_space<vmem>>
    %dma_start3A_8 = tpu.memref_squeeze %dma_start3A_7 : memref<1x125x32xf32, #tpu.memory_space<vmem>> -> memref<125x32xf32, #tpu.memory_space<vmem>>
    %dma_start3A_9 = arith.constant 0 : i32
    %dma_start3A_10 = tpu.memref_slice %arg9[%dma_start3A, %dma_start3A_9] : memref<160x125xi32, #tpu.memory_space<vmem>> -> memref<1x125xi32, #tpu.memory_space<vmem>>
    %dma_start3A_11 = tpu.memref_squeeze %dma_start3A_10 : memref<1x125xi32, #tpu.memory_space<vmem>> -> memref<125xi32, #tpu.memory_space<vmem>>
    %dma_start3A_12 = arith.constant 0 : i32
    %dma_start3A_13 = arith.constant 0 : i32
    %dma_start3A_14 = tpu.memref_slice %arg8[%dma_start3A_12, %dma_start3A_13] : memref<10000x32xf32, #tpu.memory_space<vmem_shared>> -> memref<10000x32xf32, #tpu.memory_space<vmem_shared>>
    %dma_start3A_15 = tpu.memref_slice %arg12[%dma_start3A_4] : memref<8x!tpu.dma_semaphore, #tpu.memory_space<semaphore_mem>> -> memref<1x!tpu.dma_semaphore, #tpu.memory_space<semaphore_mem>>
    %dma_start3A_16 = tpu.memref_squeeze %dma_start3A_15 : memref<1x!tpu.dma_semaphore, #tpu.memory_space<semaphore_mem>> -> memref<!tpu.dma_semaphore, #tpu.memory_space<semaphore_mem>>
    tpu.enqueue_indirect_dma source(%dma_start3A_14 : memref<10000x32xf32, #tpu.memory_space<vmem_shared>>) target(%dma_start3A_8 : memref<125x32xf32, #tpu.memory_space<vmem>>) offsets(%dma_start3A_11 : memref<125xi32, #tpu.memory_space<vmem>>) semaphore(%dma_start3A_16 : memref<!tpu.dma_semaphore, #tpu.memory_space<semaphore_mem>>)
    %dma_start3A_17 = arith.constant 1 : i32
    %dma_start3A_18 = arith.constant 1 : i32
    %dma_start3A_19 = arith.constant 1 : i32
    %dma_start3A_20 = arith.constant 0 : i32
    %dma_start3A_21 = arith.constant 0 : i32
    %dma_start3A_22 = tpu.memref_slice %arg11[%dma_start3A_18, %dma_start3A_20, %dma_start3A_21] : memref<8x125x32xf32, #tpu.memory_space<vmem>> -> memref<1x125x32xf32, #tpu.memory_space<vmem>>
    %dma_start3A_23 = tpu.memref_squeeze %dma_start3A_22 : memref<1x125x32xf32, #tpu.memory_space<vmem>> -> memref<125x32xf32, #tpu.memory_space<vmem>>
    %dma_start3A_24 = arith.constant 0 : i32
    %dma_start3A_25 = tpu.memref_slice %arg9[%dma_start3A_17, %dma_start3A_24] : memref<160x125xi32, #tpu.memory_space<vmem>> -> memref<1x125xi32, #tpu.memory_space<vmem>>
    %dma_start3A_26 = tpu.memref_squeeze %dma_start3A_25 : memref<1x125xi32, #tpu.memory_space<vmem>> -> memref<125xi32, #tpu.memory_space<vmem>>
    %dma_start3A_27 = arith.constant 0 : i32
    %dma_start3A_28 = arith.constant 0 : i32
    %dma_start3A_29 = tpu.memref_slice %arg8[%dma_start3A_27, %dma_start3A_28] : memref<10000x32xf32, #tpu.memory_space<vmem_shared>> -> memref<10000x32xf32, #tpu.memory_space<vmem_shared>>
    %dma_start3A_30 = tpu.memref_slice %arg12[%dma_start3A_19] : memref<8x!tpu.dma_semaphore, #tpu.memory_space<semaphore_mem>> -> memref<1x!tpu.dma_semaphore, #tpu.memory_space<semaphore_mem>>
    %dma_start3A_31 = tpu.memref_squeeze %dma_start3A_30 : memref<1x!tpu.dma_semaphore, #tpu.memory_space<semaphore_mem>> -> memref<!tpu.dma_semaphore, #tpu.memory_space<semaphore_mem>>
    tpu.enqueue_indirect_dma source(%dma_start3A_29 : memref<10000x32xf32, #tpu.memory_space<vmem_shared>>) target(%dma_start3A_23 : memref<125x32xf32, #tpu.memory_space<vmem>>) offsets(%dma_start3A_26 : memref<125xi32, #tpu.memory_space<vmem>>) semaphore(%dma_start3A_31 : memref<!tpu.dma_semaphore, #tpu.memory_space<semaphore_mem>>)
    %dma_start3A_32 = arith.constant 2 : i32
    %dma_start3A_33 = arith.constant 2 : i32
    %dma_start3A_34 = arith.constant 2 : i32
    %dma_start3A_35 = arith.constant 0 : i32
    %dma_start3A_36 = arith.constant 0 : i32
    %dma_start3A_37 = tpu.memref_slice %arg11[%dma_start3A_33, %dma_start3A_35, %dma_start3A_36] : memref<8x125x32xf32, #tpu.memory_space<vmem>> -> memref<1x125x32xf32, #tpu.memory_space<vmem>>
    %dma_start3A_38 = tpu.memref_squeeze %dma_start3A_37 : memref<1x125x32xf32, #tpu.memory_space<vmem>> -> memref<125x32xf32, #tpu.memory_space<vmem>>
    %dma_start3A_39 = arith.constant 0 : i32
    %dma_start3A_40 = tpu.memref_slice %arg9[%dma_start3A_32, %dma_start3A_39] : memref<160x125xi32, #tpu.memory_space<vmem>> -> memref<1x125xi32, #tpu.memory_space<vmem>>
    %dma_start3A_41 = tpu.memref_squeeze %dma_start3A_40 : memref<1x125xi32, #tpu.memory_space<vmem>> -> memref<125xi32, #tpu.memory_space<vmem>>
    %dma_start3A_42 = arith.constant 0 : i32
    %dma_start3A_43 = arith.constant 0 : i32
    %dma_start3A_44 = tpu.memref_slice %arg8[%dma_start3A_42, %dma_start3A_43] : memref<10000x32xf32, #tpu.memory_space<vmem_shared>> -> memref<10000x32xf32, #tpu.memory_space<vmem_shared>>
    %dma_start3A_45 = tpu.memref_slice %arg12[%dma_start3A_34] : memref<8x!tpu.dma_semaphore, #tpu.memory_space<semaphore_mem>> -> memref<1x!tpu.dma_semaphore, #tpu.memory_space<semaphore_mem>>
    %dma_start3A_46 = tpu.memref_squeeze %dma_start3A_45 : memref<1x!tpu.dma_semaphore, #tpu.memory_space<semaphore_mem>> -> memref<!tpu.dma_semaphore, #tpu.memory_space<semaphore_mem>>
    tpu.enqueue_indirect_dma source(%dma_start3A_44 : memref<10000x32xf32, #tpu.memory_space<vmem_shared>>) target(%dma_start3A_38 : memref<125x32xf32, #tpu.memory_space<vmem>>) offsets(%dma_start3A_41 : memref<125xi32, #tpu.memory_space<vmem>>) semaphore(%dma_start3A_46 : memref<!tpu.dma_semaphore, #tpu.memory_space<semaphore_mem>>)
    %dma_start3A_47 = arith.constant 3 : i32
    %dma_start3A_48 = arith.constant 3 : i32
    %dma_start3A_49 = arith.constant 3 : i32
    %dma_start3A_50 = arith.constant 0 : i32
    %dma_start3A_51 = arith.constant 0 : i32
    %dma_start3A_52 = tpu.memref_slice %arg11[%dma_start3A_48, %dma_start3A_50, %dma_start3A_51] : memref<8x125x32xf32, #tpu.memory_space<vmem>> -> memref<1x125x32xf32, #tpu.memory_space<vmem>>
    %dma_start3A_53 = tpu.memref_squeeze %dma_start3A_52 : memref<1x125x32xf32, #tpu.memory_space<vmem>> -> memref<125x32xf32, #tpu.memory_space<vmem>>
    %dma_start3A_54 = arith.constant 0 : i32
    %dma_start3A_55 = tpu.memref_slice %arg9[%dma_start3A_47, %dma_start3A_54] : memref<160x125xi32, #tpu.memory_space<vmem>> -> memref<1x125xi32, #tpu.memory_space<vmem>>
    %dma_start3A_56 = tpu.memref_squeeze %dma_start3A_55 : memref<1x125xi32, #tpu.memory_space<vmem>> -> memref<125xi32, #tpu.memory_space<vmem>>
    %dma_start3A_57 = arith.constant 0 : i32
    %dma_start3A_58 = arith.constant 0 : i32
    %dma_start3A_59 = tpu.memref_slice %arg8[%dma_start3A_57, %dma_start3A_58] : memref<10000x32xf32, #tpu.memory_space<vmem_shared>> -> memref<10000x32xf32, #tpu.memory_space<vmem_shared>>
    %dma_start3A_60 = tpu.memref_slice %arg12[%dma_start3A_49] : memref<8x!tpu.dma_semaphore, #tpu.memory_space<semaphore_mem>> -> memref<1x!tpu.dma_semaphore, #tpu.memory_space<semaphore_mem>>
    %dma_start3A_61 = tpu.memref_squeeze %dma_start3A_60 : memref<1x!tpu.dma_semaphore, #tpu.memory_space<semaphore_mem>> -> memref<!tpu.dma_semaphore, #tpu.memory_space<semaphore_mem>>
    tpu.enqueue_indirect_dma source(%dma_start3A_59 : memref<10000x32xf32, #tpu.memory_space<vmem_shared>>) target(%dma_start3A_53 : memref<125x32xf32, #tpu.memory_space<vmem>>) offsets(%dma_start3A_56 : memref<125xi32, #tpu.memory_space<vmem>>) semaphore(%dma_start3A_61 : memref<!tpu.dma_semaphore, #tpu.memory_space<semaphore_mem>>)
    %scan3A = arith.constant 0 : i32
    %scan3A_62 = arith.constant 0 : i32
    %scan3A_63 = arith.constant 160 : i32
    %scan3A_64 = arith.addi %scan3A_62, %scan3A_63 : i32
    %scan3A_65 = arith.constant 1 : i32
    %scan3A_66 = scf.for %scan3A_188 = %scan3A_62 to %scan3A_64 step %scan3A_65 iter_args(%scan3A_189 = %scan3A) -> (i32)  : i32 {
      %add3A = arith.constant 4 : i32
      %add3A_190 = arith.addi %scan3A_188, %add3A : i32
      %rem3A = arith.constant 8 : i32
      %rem3A_191 = arith.remsi %add3A_190, %rem3A : i32
      %lt3A = arith.constant 160 : i32
      %lt3A_192 = arith.cmpi slt, %add3A_190, %lt3A : i32
      %convert_element_type3A = arith.extui %lt3A_192 : i1 to i32
      %cond3A = arith.constant 0 : i32
      %cond3A_193 = arith.cmpi ne, %convert_element_type3A, %cond3A : i32
      scf.if %cond3A_193 {
        %ge3A = arith.constant 4 : i32
        %ge3A_221 = arith.cmpi sge, %scan3A_188, %ge3A : i32
        %convert_element_type3A_222 = arith.extui %ge3A_221 : i1 to i32
        %cond3A_223 = arith.constant 0 : i32
        %cond3A_224 = arith.cmpi ne, %convert_element_type3A_222, %cond3A_223 : i32
        scf.if %cond3A_224 {
          %sub3A = arith.constant 4 : i32
          %sub3A_237 = arith.subi %scan3A_188, %sub3A : i32
          %dma_wait3A_238 = arith.constant 0 : i32
          %dma_wait3A_239 = arith.constant 0 : i32
          %dma_wait3A_240 = tpu.memref_slice %arg11[%rem3A_191, %dma_wait3A_238, %dma_wait3A_239] : memref<8x125x32xf32, #tpu.memory_space<vmem>> -> memref<1x125x32xf32, #tpu.memory_space<vmem>>
          %dma_wait3A_241 = tpu.memref_squeeze %dma_wait3A_240 : memref<1x125x32xf32, #tpu.memory_space<vmem>> -> memref<125x32xf32, #tpu.memory_space<vmem>>
          %dma_wait3A_242 = arith.constant 0 : i32
          %dma_wait3A_243 = tpu.memref_slice %arg10[%sub3A_237, %dma_wait3A_242] : memref<160x125xi32, #tpu.memory_space<vmem>> -> memref<1x125xi32, #tpu.memory_space<vmem>>
          %dma_wait3A_244 = tpu.memref_squeeze %dma_wait3A_243 : memref<1x125xi32, #tpu.memory_space<vmem>> -> memref<125xi32, #tpu.memory_space<vmem>>
          %dma_wait3A_245 = arith.constant 0 : i32
          %dma_wait3A_246 = arith.constant 0 : i32
          %dma_wait3A_247 = tpu.memref_slice %arg7[%dma_wait3A_245, %dma_wait3A_246] : memref<10240x32xf32, #tpu.memory_space<vmem_shared>> -> memref<10240x32xf32, #tpu.memory_space<vmem_shared>>
          %dma_wait3A_248 = tpu.memref_slice %arg13[%rem3A_191] : memref<8x!tpu.dma_semaphore, #tpu.memory_space<semaphore_mem>> -> memref<1x!tpu.dma_semaphore, #tpu.memory_space<semaphore_mem>>
          %dma_wait3A_249 = tpu.memref_squeeze %dma_wait3A_248 : memref<1x!tpu.dma_semaphore, #tpu.memory_space<semaphore_mem>> -> memref<!tpu.dma_semaphore, #tpu.memory_space<semaphore_mem>>
          tpu.wait_indirect_dma semaphore(%dma_wait3A_249 : memref<!tpu.dma_semaphore, #tpu.memory_space<semaphore_mem>>) src(%dma_wait3A_241 : memref<125x32xf32, #tpu.memory_space<vmem>>) dst(%dma_wait3A_247 : memref<10240x32xf32, #tpu.memory_space<vmem_shared>>)
        } else {
        }
        %dma_start3A_225 = arith.constant 0 : i32
        %dma_start3A_226 = arith.constant 0 : i32
        %dma_start3A_227 = tpu.memref_slice %arg11[%rem3A_191, %dma_start3A_225, %dma_start3A_226] : memref<8x125x32xf32, #tpu.memory_space<vmem>> -> memref<1x125x32xf32, #tpu.memory_space<vmem>>
        %dma_start3A_228 = tpu.memref_squeeze %dma_start3A_227 : memref<1x125x32xf32, #tpu.memory_space<vmem>> -> memref<125x32xf32, #tpu.memory_space<vmem>>
        %dma_start3A_229 = arith.constant 0 : i32
        %dma_start3A_230 = tpu.memref_slice %arg9[%add3A_190, %dma_start3A_229] : memref<160x125xi32, #tpu.memory_space<vmem>> -> memref<1x125xi32, #tpu.memory_space<vmem>>
        %dma_start3A_231 = tpu.memref_squeeze %dma_start3A_230 : memref<1x125xi32, #tpu.memory_space<vmem>> -> memref<125xi32, #tpu.memory_space<vmem>>
        %dma_start3A_232 = arith.constant 0 : i32
        %dma_start3A_233 = arith.constant 0 : i32
        %dma_start3A_234 = tpu.memref_slice %arg8[%dma_start3A_232, %dma_start3A_233] : memref<10000x32xf32, #tpu.memory_space<vmem_shared>> -> memref<10000x32xf32, #tpu.memory_space<vmem_shared>>
        %dma_start3A_235 = tpu.memref_slice %arg12[%rem3A_191] : memref<8x!tpu.dma_semaphore, #tpu.memory_space<semaphore_mem>> -> memref<1x!tpu.dma_semaphore, #tpu.memory_space<semaphore_mem>>
        %dma_start3A_236 = tpu.memref_squeeze %dma_start3A_235 : memref<1x!tpu.dma_semaphore, #tpu.memory_space<semaphore_mem>> -> memref<!tpu.dma_semaphore, #tpu.memory_space<semaphore_mem>>
        tpu.enqueue_indirect_dma source(%dma_start3A_234 : memref<10000x32xf32, #tpu.memory_space<vmem_shared>>) target(%dma_start3A_228 : memref<125x32xf32, #tpu.memory_space<vmem>>) offsets(%dma_start3A_231 : memref<125xi32, #tpu.memory_space<vmem>>) semaphore(%dma_start3A_236 : memref<!tpu.dma_semaphore, #tpu.memory_space<semaphore_mem>>)
      } else {
      }
      %rem3A_194 = arith.constant 8 : i32
      %rem3A_195 = arith.remsi %scan3A_188, %rem3A_194 : i32
      %dma_wait3A_196 = arith.constant 0 : i32
      %dma_wait3A_197 = arith.constant 0 : i32
      %dma_wait3A_198 = tpu.memref_slice %arg11[%rem3A_195, %dma_wait3A_196, %dma_wait3A_197] : memref<8x125x32xf32, #tpu.memory_space<vmem>> -> memref<1x125x32xf32, #tpu.memory_space<vmem>>
      %dma_wait3A_199 = tpu.memref_squeeze %dma_wait3A_198 : memref<1x125x32xf32, #tpu.memory_space<vmem>> -> memref<125x32xf32, #tpu.memory_space<vmem>>
      %dma_wait3A_200 = arith.constant 0 : i32
      %dma_wait3A_201 = tpu.memref_slice %arg9[%scan3A_188, %dma_wait3A_200] : memref<160x125xi32, #tpu.memory_space<vmem>> -> memref<1x125xi32, #tpu.memory_space<vmem>>
      %dma_wait3A_202 = tpu.memref_squeeze %dma_wait3A_201 : memref<1x125xi32, #tpu.memory_space<vmem>> -> memref<125xi32, #tpu.memory_space<vmem>>
      %dma_wait3A_203 = arith.constant 0 : i32
      %dma_wait3A_204 = arith.constant 0 : i32
      %dma_wait3A_205 = tpu.memref_slice %arg8[%dma_wait3A_203, %dma_wait3A_204] : memref<10000x32xf32, #tpu.memory_space<vmem_shared>> -> memref<10000x32xf32, #tpu.memory_space<vmem_shared>>
      %dma_wait3A_206 = tpu.memref_slice %arg12[%rem3A_195] : memref<8x!tpu.dma_semaphore, #tpu.memory_space<semaphore_mem>> -> memref<1x!tpu.dma_semaphore, #tpu.memory_space<semaphore_mem>>
      %dma_wait3A_207 = tpu.memref_squeeze %dma_wait3A_206 : memref<1x!tpu.dma_semaphore, #tpu.memory_space<semaphore_mem>> -> memref<!tpu.dma_semaphore, #tpu.memory_space<semaphore_mem>>
      tpu.wait_indirect_dma semaphore(%dma_wait3A_207 : memref<!tpu.dma_semaphore, #tpu.memory_space<semaphore_mem>>) src(%dma_wait3A_205 : memref<10000x32xf32, #tpu.memory_space<vmem_shared>>) dst(%dma_wait3A_199 : memref<125x32xf32, #tpu.memory_space<vmem>>)
      %dma_start3A_208 = arith.constant 0 : i32
      %dma_start3A_209 = arith.constant 0 : i32
      %dma_start3A_210 = tpu.memref_slice %arg11[%rem3A_195, %dma_start3A_208, %dma_start3A_209] : memref<8x125x32xf32, #tpu.memory_space<vmem>> -> memref<1x125x32xf32, #tpu.memory_space<vmem>>
      %dma_start3A_211 = tpu.memref_squeeze %dma_start3A_210 : memref<1x125x32xf32, #tpu.memory_space<vmem>> -> memref<125x32xf32, #tpu.memory_space<vmem>>
      %dma_start3A_212 = arith.constant 0 : i32
      %dma_start3A_213 = tpu.memref_slice %arg10[%scan3A_188, %dma_start3A_212] : memref<160x125xi32, #tpu.memory_space<vmem>> -> memref<1x125xi32, #tpu.memory_space<vmem>>
      %dma_start3A_214 = tpu.memref_squeeze %dma_start3A_213 : memref<1x125xi32, #tpu.memory_space<vmem>> -> memref<125xi32, #tpu.memory_space<vmem>>
      %dma_start3A_215 = arith.constant 0 : i32
      %dma_start3A_216 = arith.constant 0 : i32
      %dma_start3A_217 = tpu.memref_slice %arg7[%dma_start3A_215, %dma_start3A_216] : memref<10240x32xf32, #tpu.memory_space<vmem_shared>> -> memref<10240x32xf32, #tpu.memory_space<vmem_shared>>
      %dma_start3A_218 = tpu.memref_slice %arg13[%rem3A_195] : memref<8x!tpu.dma_semaphore, #tpu.memory_space<semaphore_mem>> -> memref<1x!tpu.dma_semaphore, #tpu.memory_space<semaphore_mem>>
      %dma_start3A_219 = tpu.memref_squeeze %dma_start3A_218 : memref<1x!tpu.dma_semaphore, #tpu.memory_space<semaphore_mem>> -> memref<!tpu.dma_semaphore, #tpu.memory_space<semaphore_mem>>
      tpu.enqueue_indirect_dma source(%dma_start3A_211 : memref<125x32xf32, #tpu.memory_space<vmem>>) target(%dma_start3A_217 : memref<10240x32xf32, #tpu.memory_space<vmem_shared>>) offsets(%dma_start3A_214 : memref<125xi32, #tpu.memory_space<vmem>>) semaphore(%dma_start3A_219 : memref<!tpu.dma_semaphore, #tpu.memory_space<semaphore_mem>>) {add = true}
      %scan3A_220 = arith.constant 0 : i32
      scf.yield %scan3A_220 : i32
    }
    %scan3A_67 = arith.constant 160 : i32
    %dma_wait3A = arith.constant 0 : i32
    %dma_wait3A_68 = arith.constant 152 : i32
    %dma_wait3A_69 = arith.constant 0 : i32
    %dma_wait3A_70 = arith.constant 0 : i32
    %dma_wait3A_71 = arith.constant 0 : i32
    %dma_wait3A_72 = tpu.memref_slice %arg11[%dma_wait3A, %dma_wait3A_70, %dma_wait3A_71] : memref<8x125x32xf32, #tpu.memory_space<vmem>> -> memref<1x125x32xf32, #tpu.memory_space<vmem>>
    %dma_wait3A_73 = tpu.memref_squeeze %dma_wait3A_72 : memref<1x125x32xf32, #tpu.memory_space<vmem>> -> memref<125x32xf32, #tpu.memory_space<vmem>>
    %dma_wait3A_74 = arith.constant 0 : i32
    %dma_wait3A_75 = tpu.memref_slice %arg10[%dma_wait3A_68, %dma_wait3A_74] : memref<160x125xi32, #tpu.memory_space<vmem>> -> memref<1x125xi32, #tpu.memory_space<vmem>>
    %dma_wait3A_76 = tpu.memref_squeeze %dma_wait3A_75 : memref<1x125xi32, #tpu.memory_space<vmem>> -> memref<125xi32, #tpu.memory_space<vmem>>
    %dma_wait3A_77 = arith.constant 0 : i32
    %dma_wait3A_78 = arith.constant 0 : i32
    %dma_wait3A_79 = tpu.memref_slice %arg7[%dma_wait3A_77, %dma_wait3A_78] : memref<10240x32xf32, #tpu.memory_space<vmem_shared>> -> memref<10240x32xf32, #tpu.memory_space<vmem_shared>>
    %dma_wait3A_80 = tpu.memref_slice %arg13[%dma_wait3A_69] : memref<8x!tpu.dma_semaphore, #tpu.memory_space<semaphore_mem>> -> memref<1x!tpu.dma_semaphore, #tpu.memory_space<semaphore_mem>>
    %dma_wait3A_81 = tpu.memref_squeeze %dma_wait3A_80 : memref<1x!tpu.dma_semaphore, #tpu.memory_space<semaphore_mem>> -> memref<!tpu.dma_semaphore, #tpu.memory_space<semaphore_mem>>
    tpu.wait_indirect_dma semaphore(%dma_wait3A_81 : memref<!tpu.dma_semaphore, #tpu.memory_space<semaphore_mem>>) src(%dma_wait3A_73 : memref<125x32xf32, #tpu.memory_space<vmem>>) dst(%dma_wait3A_79 : memref<10240x32xf32, #tpu.memory_space<vmem_shared>>)
    %dma_wait3A_82 = arith.constant 1 : i32
    %dma_wait3A_83 = arith.constant 153 : i32
    %dma_wait3A_84 = arith.constant 1 : i32
    %dma_wait3A_85 = arith.constant 0 : i32
    %dma_wait3A_86 = arith.constant 0 : i32
    %dma_wait3A_87 = tpu.memref_slice %arg11[%dma_wait3A_82, %dma_wait3A_85, %dma_wait3A_86] : memref<8x125x32xf32, #tpu.memory_space<vmem>> -> memref<1x125x32xf32, #tpu.memory_space<vmem>>
    %dma_wait3A_88 = tpu.memref_squeeze %dma_wait3A_87 : memref<1x125x32xf32, #tpu.memory_space<vmem>> -> memref<125x32xf32, #tpu.memory_space<vmem>>
    %dma_wait3A_89 = arith.constant 0 : i32
    %dma_wait3A_90 = tpu.memref_slice %arg10[%dma_wait3A_83, %dma_wait3A_89] : memref<160x125xi32, #tpu.memory_space<vmem>> -> memref<1x125xi32, #tpu.memory_space<vmem>>
    %dma_wait3A_91 = tpu.memref_squeeze %dma_wait3A_90 : memref<1x125xi32, #tpu.memory_space<vmem>> -> memref<125xi32, #tpu.memory_space<vmem>>
    %dma_wait3A_92 = arith.constant 0 : i32
    %dma_wait3A_93 = arith.constant 0 : i32
    %dma_wait3A_94 = tpu.memref_slice %arg7[%dma_wait3A_92, %dma_wait3A_93] : memref<10240x32xf32, #tpu.memory_space<vmem_shared>> -> memref<10240x32xf32, #tpu.memory_space<vmem_shared>>
    %dma_wait3A_95 = tpu.memref_slice %arg13[%dma_wait3A_84] : memref<8x!tpu.dma_semaphore, #tpu.memory_space<semaphore_mem>> -> memref<1x!tpu.dma_semaphore, #tpu.memory_space<semaphore_mem>>
    %dma_wait3A_96 = tpu.memref_squeeze %dma_wait3A_95 : memref<1x!tpu.dma_semaphore, #tpu.memory_space<semaphore_mem>> -> memref<!tpu.dma_semaphore, #tpu.memory_space<semaphore_mem>>
    tpu.wait_indirect_dma semaphore(%dma_wait3A_96 : memref<!tpu.dma_semaphore, #tpu.memory_space<semaphore_mem>>) src(%dma_wait3A_88 : memref<125x32xf32, #tpu.memory_space<vmem>>) dst(%dma_wait3A_94 : memref<10240x32xf32, #tpu.memory_space<vmem_shared>>)
    %dma_wait3A_97 = arith.constant 2 : i32
    %dma_wait3A_98 = arith.constant 154 : i32
    %dma_wait3A_99 = arith.constant 2 : i32
    %dma_wait3A_100 = arith.constant 0 : i32
    %dma_wait3A_101 = arith.constant 0 : i32
    %dma_wait3A_102 = tpu.memref_slice %arg11[%dma_wait3A_97, %dma_wait3A_100, %dma_wait3A_101] : memref<8x125x32xf32, #tpu.memory_space<vmem>> -> memref<1x125x32xf32, #tpu.memory_space<vmem>>
    %dma_wait3A_103 = tpu.memref_squeeze %dma_wait3A_102 : memref<1x125x32xf32, #tpu.memory_space<vmem>> -> memref<125x32xf32, #tpu.memory_space<vmem>>
    %dma_wait3A_104 = arith.constant 0 : i32
    %dma_wait3A_105 = tpu.memref_slice %arg10[%dma_wait3A_98, %dma_wait3A_104] : memref<160x125xi32, #tpu.memory_space<vmem>> -> memref<1x125xi32, #tpu.memory_space<vmem>>
    %dma_wait3A_106 = tpu.memref_squeeze %dma_wait3A_105 : memref<1x125xi32, #tpu.memory_space<vmem>> -> memref<125xi32, #tpu.memory_space<vmem>>
    %dma_wait3A_107 = arith.constant 0 : i32
    %dma_wait3A_108 = arith.constant 0 : i32
    %dma_wait3A_109 = tpu.memref_slice %arg7[%dma_wait3A_107, %dma_wait3A_108] : memref<10240x32xf32, #tpu.memory_space<vmem_shared>> -> memref<10240x32xf32, #tpu.memory_space<vmem_shared>>
    %dma_wait3A_110 = tpu.memref_slice %arg13[%dma_wait3A_99] : memref<8x!tpu.dma_semaphore, #tpu.memory_space<semaphore_mem>> -> memref<1x!tpu.dma_semaphore, #tpu.memory_space<semaphore_mem>>
    %dma_wait3A_111 = tpu.memref_squeeze %dma_wait3A_110 : memref<1x!tpu.dma_semaphore, #tpu.memory_space<semaphore_mem>> -> memref<!tpu.dma_semaphore, #tpu.memory_space<semaphore_mem>>
    tpu.wait_indirect_dma semaphore(%dma_wait3A_111 : memref<!tpu.dma_semaphore, #tpu.memory_space<semaphore_mem>>) src(%dma_wait3A_103 : memref<125x32xf32, #tpu.memory_space<vmem>>) dst(%dma_wait3A_109 : memref<10240x32xf32, #tpu.memory_space<vmem_shared>>)
    %dma_wait3A_112 = arith.constant 3 : i32
    %dma_wait3A_113 = arith.constant 155 : i32
    %dma_wait3A_114 = arith.constant 3 : i32
    %dma_wait3A_115 = arith.constant 0 : i32
    %dma_wait3A_116 = arith.constant 0 : i32
    %dma_wait3A_117 = tpu.memref_slice %arg11[%dma_wait3A_112, %dma_wait3A_115, %dma_wait3A_116] : memref<8x125x32xf32, #tpu.memory_space<vmem>> -> memref<1x125x32xf32, #tpu.memory_space<vmem>>
    %dma_wait3A_118 = tpu.memref_squeeze %dma_wait3A_117 : memref<1x125x32xf32, #tpu.memory_space<vmem>> -> memref<125x32xf32, #tpu.memory_space<vmem>>
    %dma_wait3A_119 = arith.constant 0 : i32
    %dma_wait3A_120 = tpu.memref_slice %arg10[%dma_wait3A_113, %dma_wait3A_119] : memref<160x125xi32, #tpu.memory_space<vmem>> -> memref<1x125xi32, #tpu.memory_space<vmem>>
    %dma_wait3A_121 = tpu.memref_squeeze %dma_wait3A_120 : memref<1x125xi32, #tpu.memory_space<vmem>> -> memref<125xi32, #tpu.memory_space<vmem>>
    %dma_wait3A_122 = arith.constant 0 : i32
    %dma_wait3A_123 = arith.constant 0 : i32
    %dma_wait3A_124 = tpu.memref_slice %arg7[%dma_wait3A_122, %dma_wait3A_123] : memref<10240x32xf32, #tpu.memory_space<vmem_shared>> -> memref<10240x32xf32, #tpu.memory_space<vmem_shared>>
    %dma_wait3A_125 = tpu.memref_slice %arg13[%dma_wait3A_114] : memref<8x!tpu.dma_semaphore, #tpu.memory_space<semaphore_mem>> -> memref<1x!tpu.dma_semaphore, #tpu.memory_space<semaphore_mem>>
    %dma_wait3A_126 = tpu.memref_squeeze %dma_wait3A_125 : memref<1x!tpu.dma_semaphore, #tpu.memory_space<semaphore_mem>> -> memref<!tpu.dma_semaphore, #tpu.memory_space<semaphore_mem>>
    tpu.wait_indirect_dma semaphore(%dma_wait3A_126 : memref<!tpu.dma_semaphore, #tpu.memory_space<semaphore_mem>>) src(%dma_wait3A_118 : memref<125x32xf32, #tpu.memory_space<vmem>>) dst(%dma_wait3A_124 : memref<10240x32xf32, #tpu.memory_space<vmem_shared>>)
    %dma_wait3A_127 = arith.constant 4 : i32
    %dma_wait3A_128 = arith.constant 156 : i32
    %dma_wait3A_129 = arith.constant 4 : i32
    %dma_wait3A_130 = arith.constant 0 : i32
    %dma_wait3A_131 = arith.constant 0 : i32
    %dma_wait3A_132 = tpu.memref_slice %arg11[%dma_wait3A_127, %dma_wait3A_130, %dma_wait3A_131] : memref<8x125x32xf32, #tpu.memory_space<vmem>> -> memref<1x125x32xf32, #tpu.memory_space<vmem>>
    %dma_wait3A_133 = tpu.memref_squeeze %dma_wait3A_132 : memref<1x125x32xf32, #tpu.memory_space<vmem>> -> memref<125x32xf32, #tpu.memory_space<vmem>>
    %dma_wait3A_134 = arith.constant 0 : i32
    %dma_wait3A_135 = tpu.memref_slice %arg10[%dma_wait3A_128, %dma_wait3A_134] : memref<160x125xi32, #tpu.memory_space<vmem>> -> memref<1x125xi32, #tpu.memory_space<vmem>>
    %dma_wait3A_136 = tpu.memref_squeeze %dma_wait3A_135 : memref<1x125xi32, #tpu.memory_space<vmem>> -> memref<125xi32, #tpu.memory_space<vmem>>
    %dma_wait3A_137 = arith.constant 0 : i32
    %dma_wait3A_138 = arith.constant 0 : i32
    %dma_wait3A_139 = tpu.memref_slice %arg7[%dma_wait3A_137, %dma_wait3A_138] : memref<10240x32xf32, #tpu.memory_space<vmem_shared>> -> memref<10240x32xf32, #tpu.memory_space<vmem_shared>>
    %dma_wait3A_140 = tpu.memref_slice %arg13[%dma_wait3A_129] : memref<8x!tpu.dma_semaphore, #tpu.memory_space<semaphore_mem>> -> memref<1x!tpu.dma_semaphore, #tpu.memory_space<semaphore_mem>>
    %dma_wait3A_141 = tpu.memref_squeeze %dma_wait3A_140 : memref<1x!tpu.dma_semaphore, #tpu.memory_space<semaphore_mem>> -> memref<!tpu.dma_semaphore, #tpu.memory_space<semaphore_mem>>
    tpu.wait_indirect_dma semaphore(%dma_wait3A_141 : memref<!tpu.dma_semaphore, #tpu.memory_space<semaphore_mem>>) src(%dma_wait3A_133 : memref<125x32xf32, #tpu.memory_space<vmem>>) dst(%dma_wait3A_139 : memref<10240x32xf32, #tpu.memory_space<vmem_shared>>)
    %dma_wait3A_142 = arith.constant 5 : i32
    %dma_wait3A_143 = arith.constant 157 : i32
    %dma_wait3A_144 = arith.constant 5 : i32
    %dma_wait3A_145 = arith.constant 0 : i32
    %dma_wait3A_146 = arith.constant 0 : i32
    %dma_wait3A_147 = tpu.memref_slice %arg11[%dma_wait3A_142, %dma_wait3A_145, %dma_wait3A_146] : memref<8x125x32xf32, #tpu.memory_space<vmem>> -> memref<1x125x32xf32, #tpu.memory_space<vmem>>
    %dma_wait3A_148 = tpu.memref_squeeze %dma_wait3A_147 : memref<1x125x32xf32, #tpu.memory_space<vmem>> -> memref<125x32xf32, #tpu.memory_space<vmem>>
    %dma_wait3A_149 = arith.constant 0 : i32
    %dma_wait3A_150 = tpu.memref_slice %arg10[%dma_wait3A_143, %dma_wait3A_149] : memref<160x125xi32, #tpu.memory_space<vmem>> -> memref<1x125xi32, #tpu.memory_space<vmem>>
    %dma_wait3A_151 = tpu.memref_squeeze %dma_wait3A_150 : memref<1x125xi32, #tpu.memory_space<vmem>> -> memref<125xi32, #tpu.memory_space<vmem>>
    %dma_wait3A_152 = arith.constant 0 : i32
    %dma_wait3A_153 = arith.constant 0 : i32
    %dma_wait3A_154 = tpu.memref_slice %arg7[%dma_wait3A_152, %dma_wait3A_153] : memref<10240x32xf32, #tpu.memory_space<vmem_shared>> -> memref<10240x32xf32, #tpu.memory_space<vmem_shared>>
    %dma_wait3A_155 = tpu.memref_slice %arg13[%dma_wait3A_144] : memref<8x!tpu.dma_semaphore, #tpu.memory_space<semaphore_mem>> -> memref<1x!tpu.dma_semaphore, #tpu.memory_space<semaphore_mem>>
    %dma_wait3A_156 = tpu.memref_squeeze %dma_wait3A_155 : memref<1x!tpu.dma_semaphore, #tpu.memory_space<semaphore_mem>> -> memref<!tpu.dma_semaphore, #tpu.memory_space<semaphore_mem>>
    tpu.wait_indirect_dma semaphore(%dma_wait3A_156 : memref<!tpu.dma_semaphore, #tpu.memory_space<semaphore_mem>>) src(%dma_wait3A_148 : memref<125x32xf32, #tpu.memory_space<vmem>>) dst(%dma_wait3A_154 : memref<10240x32xf32, #tpu.memory_space<vmem_shared>>)
    %dma_wait3A_157 = arith.constant 6 : i32
    %dma_wait3A_158 = arith.constant 158 : i32
    %dma_wait3A_159 = arith.constant 6 : i32
    %dma_wait3A_160 = arith.constant 0 : i32
    %dma_wait3A_161 = arith.constant 0 : i32
    %dma_wait3A_162 = tpu.memref_slice %arg11[%dma_wait3A_157, %dma_wait3A_160, %dma_wait3A_161] : memref<8x125x32xf32, #tpu.memory_space<vmem>> -> memref<1x125x32xf32, #tpu.memory_space<vmem>>
    %dma_wait3A_163 = tpu.memref_squeeze %dma_wait3A_162 : memref<1x125x32xf32, #tpu.memory_space<vmem>> -> memref<125x32xf32, #tpu.memory_space<vmem>>
    %dma_wait3A_164 = arith.constant 0 : i32
    %dma_wait3A_165 = tpu.memref_slice %arg10[%dma_wait3A_158, %dma_wait3A_164] : memref<160x125xi32, #tpu.memory_space<vmem>> -> memref<1x125xi32, #tpu.memory_space<vmem>>
    %dma_wait3A_166 = tpu.memref_squeeze %dma_wait3A_165 : memref<1x125xi32, #tpu.memory_space<vmem>> -> memref<125xi32, #tpu.memory_space<vmem>>
    %dma_wait3A_167 = arith.constant 0 : i32
    %dma_wait3A_168 = arith.constant 0 : i32
    %dma_wait3A_169 = tpu.memref_slice %arg7[%dma_wait3A_167, %dma_wait3A_168] : memref<10240x32xf32, #tpu.memory_space<vmem_shared>> -> memref<10240x32xf32, #tpu.memory_space<vmem_shared>>
    %dma_wait3A_170 = tpu.memref_slice %arg13[%dma_wait3A_159] : memref<8x!tpu.dma_semaphore, #tpu.memory_space<semaphore_mem>> -> memref<1x!tpu.dma_semaphore, #tpu.memory_space<semaphore_mem>>
    %dma_wait3A_171 = tpu.memref_squeeze %dma_wait3A_170 : memref<1x!tpu.dma_semaphore, #tpu.memory_space<semaphore_mem>> -> memref<!tpu.dma_semaphore, #tpu.memory_space<semaphore_mem>>
    tpu.wait_indirect_dma semaphore(%dma_wait3A_171 : memref<!tpu.dma_semaphore, #tpu.memory_space<semaphore_mem>>) src(%dma_wait3A_163 : memref<125x32xf32, #tpu.memory_space<vmem>>) dst(%dma_wait3A_169 : memref<10240x32xf32, #tpu.memory_space<vmem_shared>>)
    %dma_wait3A_172 = arith.constant 7 : i32
    %dma_wait3A_173 = arith.constant 159 : i32
    %dma_wait3A_174 = arith.constant 7 : i32
    %dma_wait3A_175 = arith.constant 0 : i32
    %dma_wait3A_176 = arith.constant 0 : i32
    %dma_wait3A_177 = tpu.memref_slice %arg11[%dma_wait3A_172, %dma_wait3A_175, %dma_wait3A_176] : memref<8x125x32xf32, #tpu.memory_space<vmem>> -> memref<1x125x32xf32, #tpu.memory_space<vmem>>
    %dma_wait3A_178 = tpu.memref_squeeze %dma_wait3A_177 : memref<1x125x32xf32, #tpu.memory_space<vmem>> -> memref<125x32xf32, #tpu.memory_space<vmem>>
    %dma_wait3A_179 = arith.constant 0 : i32
    %dma_wait3A_180 = tpu.memref_slice %arg10[%dma_wait3A_173, %dma_wait3A_179] : memref<160x125xi32, #tpu.memory_space<vmem>> -> memref<1x125xi32, #tpu.memory_space<vmem>>
    %dma_wait3A_181 = tpu.memref_squeeze %dma_wait3A_180 : memref<1x125xi32, #tpu.memory_space<vmem>> -> memref<125xi32, #tpu.memory_space<vmem>>
    %dma_wait3A_182 = arith.constant 0 : i32
    %dma_wait3A_183 = arith.constant 0 : i32
    %dma_wait3A_184 = tpu.memref_slice %arg7[%dma_wait3A_182, %dma_wait3A_183] : memref<10240x32xf32, #tpu.memory_space<vmem_shared>> -> memref<10240x32xf32, #tpu.memory_space<vmem_shared>>
    %dma_wait3A_185 = tpu.memref_slice %arg13[%dma_wait3A_174] : memref<8x!tpu.dma_semaphore, #tpu.memory_space<semaphore_mem>> -> memref<1x!tpu.dma_semaphore, #tpu.memory_space<semaphore_mem>>
    %dma_wait3A_186 = tpu.memref_squeeze %dma_wait3A_185 : memref<1x!tpu.dma_semaphore, #tpu.memory_space<semaphore_mem>> -> memref<!tpu.dma_semaphore, #tpu.memory_space<semaphore_mem>>
    tpu.wait_indirect_dma semaphore(%dma_wait3A_186 : memref<!tpu.dma_semaphore, #tpu.memory_space<semaphore_mem>>) src(%dma_wait3A_178 : memref<125x32xf32, #tpu.memory_space<vmem>>) dst(%dma_wait3A_184 : memref<10240x32xf32, #tpu.memory_space<vmem_shared>>)
    %barrier3A_187 = arith.constant 0 : index
    tpu.barrier barrier_id(%barrier3A_187)
    "tpu.region"() ({
      %run_scoped3A = tpu.sem_alloc : memref<!tpu.dma_semaphore, #tpu.memory_space<semaphore_mem>>
      %dma_start3A_188 = arith.constant 0 : i32
      %dma_start3A_189 = tpu.memref_slice %arg6[%arg0, %mul3A_0, %dma_start3A_188] : memref<2x10240x32xf32, #tpu.memory_space<hbm>> -> memref<1x640x32xf32, #tpu.memory_space<hbm>>
      %dma_start3A_190 = tpu.memref_squeeze %dma_start3A_189 : memref<1x640x32xf32, #tpu.memory_space<hbm>> -> memref<640x32xf32, #tpu.memory_space<hbm>>
      %dma_start3A_191 = arith.constant 0 : i32
      %dma_start3A_192 = tpu.memref_slice %arg7[%mul3A_0, %dma_start3A_191] : memref<10240x32xf32, #tpu.memory_space<vmem_shared>> -> memref<640x32xf32, #tpu.memory_space<vmem_shared>>
      tpu.enqueue_dma source(%dma_start3A_192 : memref<640x32xf32, #tpu.memory_space<vmem_shared>>) target(%dma_start3A_190 : memref<640x32xf32, #tpu.memory_space<hbm>>) target_semaphore(%run_scoped3A : memref<!tpu.dma_semaphore, #tpu.memory_space<semaphore_mem>>)
      %dma_wait3A_193 = arith.constant 0 : i32
      %dma_wait3A_194 = tpu.memref_slice %arg6[%arg0, %mul3A_0, %dma_wait3A_193] : memref<2x10240x32xf32, #tpu.memory_space<hbm>> -> memref<1x640x32xf32, #tpu.memory_space<hbm>>
      %dma_wait3A_195 = tpu.memref_squeeze %dma_wait3A_194 : memref<1x640x32xf32, #tpu.memory_space<hbm>> -> memref<640x32xf32, #tpu.memory_space<hbm>>
      %dma_wait3A_196 = arith.constant 0 : i32
      %dma_wait3A_197 = tpu.memref_slice %arg7[%mul3A_0, %dma_wait3A_196] : memref<10240x32xf32, #tpu.memory_space<vmem_shared>> -> memref<640x32xf32, #tpu.memory_space<vmem_shared>>
      tpu.wait_dma2 semaphore(%run_scoped3A : memref<!tpu.dma_semaphore, #tpu.memory_space<semaphore_mem>>) src(%dma_wait3A_197 : memref<640x32xf32, #tpu.memory_space<vmem_shared>>) dst(%dma_wait3A_195 : memref<640x32xf32, #tpu.memory_space<hbm>>)
      tpu.yield
    }) : () -> ()
    return
  }
}

#map = affine_map<(d0, d1) -> (0, 0, 0)>
#map1 = affine_map<(d0, d1) -> (0, 0)>
module attributes {stable_mosaic.version = 14 : i64} {
  func.func @_sc_edge_pass(%arg0: i32, %arg1: i32, %arg2: memref<2x10000x32xf32, #tpu.memory_space<hbm>>, %arg3: memref<16x160x125xi32, #tpu.memory_space<hbm>>, %arg4: memref<16x160x125xi32, #tpu.memory_space<hbm>>, %arg5: memref<10240x32xf32, #tpu.memory_space<hbm>>, %arg6: memref<2x10240x32xf32, #tpu.memory_space<hbm>>, %arg7: memref<10240x32xf32, #tpu.memory_space<vmem_shared>>, %arg8: memref<10000x32xf32, #tpu.memory_space<vmem_shared>>, %arg9: memref<160x125xi32, #tpu.memory_space<vmem>>, %arg10: memref<160x125xi32, #tpu.memory_space<vmem>>, %arg11: memref<8x125x32xf32, #tpu.memory_space<vmem>>, %arg12: memref<8x!tpu.dma_semaphore, #tpu.memory_space<semaphore_mem>>, %arg13: memref<8x!tpu.dma_semaphore, #tpu.memory_space<semaphore_mem>>) attributes {dimension_semantics = [#tpu.dimension_semantics<core_parallel>, #tpu.dimension_semantics<subcore_parallel>], iteration_bounds = array<i64: 2, 16>, scalar_prefetch = 0 : i64, scratch_operands = 7 : i64, tpu.core_type = #tpu.core_type<sc_vector_subcore>, window_params = [{transform_indices = #map}, {transform_indices = #map}, {transform_indices = #map}, {transform_indices = #map1}, {transform_indices = #map}]} {
    %mul3A = arith.constant 640 : i32
    %mul3A_0 = arith.muli %arg1, %mul3A : i32
    %mul3A_1 = arith.constant 625 : i32
    %mul3A_2 = arith.muli %arg1, %mul3A_1 : i32
    "tpu.region"() ({
      %run_scoped3A = tpu.sem_alloc : memref<!tpu.dma_semaphore, #tpu.memory_space<semaphore_mem>>
      %dma_start3A_188 = arith.constant 0 : i32
      %dma_start3A_189 = tpu.memref_slice %arg7[%mul3A_0, %dma_start3A_188] : memref<10240x32xf32, #tpu.memory_space<vmem_shared>> -> memref<640x32xf32, #tpu.memory_space<vmem_shared>>
      %dma_start3A_190 = arith.constant 0 : i32
      %dma_start3A_191 = tpu.memref_slice %arg5[%mul3A_0, %dma_start3A_190] : memref<10240x32xf32, #tpu.memory_space<hbm>> -> memref<640x32xf32, #tpu.memory_space<hbm>>
      tpu.enqueue_dma source(%dma_start3A_191 : memref<640x32xf32, #tpu.memory_space<hbm>>) target(%dma_start3A_189 : memref<640x32xf32, #tpu.memory_space<vmem_shared>>) target_semaphore(%run_scoped3A : memref<!tpu.dma_semaphore, #tpu.memory_space<semaphore_mem>>)
      %dma_wait3A_192 = arith.constant 0 : i32
      %dma_wait3A_193 = tpu.memref_slice %arg7[%mul3A_0, %dma_wait3A_192] : memref<10240x32xf32, #tpu.memory_space<vmem_shared>> -> memref<640x32xf32, #tpu.memory_space<vmem_shared>>
      %dma_wait3A_194 = arith.constant 0 : i32
      %dma_wait3A_195 = tpu.memref_slice %arg5[%mul3A_0, %dma_wait3A_194] : memref<10240x32xf32, #tpu.memory_space<hbm>> -> memref<640x32xf32, #tpu.memory_space<hbm>>
      tpu.wait_dma2 semaphore(%run_scoped3A : memref<!tpu.dma_semaphore, #tpu.memory_space<semaphore_mem>>) src(%dma_wait3A_195 : memref<640x32xf32, #tpu.memory_space<hbm>>) dst(%dma_wait3A_193 : memref<640x32xf32, #tpu.memory_space<vmem_shared>>)
      tpu.yield
    }) : () -> ()
    "tpu.region"() ({
      %run_scoped3A = tpu.sem_alloc : memref<!tpu.dma_semaphore, #tpu.memory_space<semaphore_mem>>
      %dma_start3A_188 = arith.constant 0 : i32
      %dma_start3A_189 = tpu.memref_slice %arg8[%mul3A_2, %dma_start3A_188] : memref<10000x32xf32, #tpu.memory_space<vmem_shared>> -> memref<625x32xf32, #tpu.memory_space<vmem_shared>>
      %dma_start3A_190 = arith.constant 0 : i32
      %dma_start3A_191 = tpu.memref_slice %arg2[%arg0, %mul3A_2, %dma_start3A_190] : memref<2x10000x32xf32, #tpu.memory_space<hbm>> -> memref<1x625x32xf32, #tpu.memory_space<hbm>>
      %dma_start3A_192 = tpu.memref_squeeze %dma_start3A_191 : memref<1x625x32xf32, #tpu.memory_space<hbm>> -> memref<625x32xf32, #tpu.memory_space<hbm>>
      tpu.enqueue_dma source(%dma_start3A_192 : memref<625x32xf32, #tpu.memory_space<hbm>>) target(%dma_start3A_189 : memref<625x32xf32, #tpu.memory_space<vmem_shared>>) target_semaphore(%run_scoped3A : memref<!tpu.dma_semaphore, #tpu.memory_space<semaphore_mem>>)
      %dma_wait3A_193 = arith.constant 0 : i32
      %dma_wait3A_194 = tpu.memref_slice %arg8[%mul3A_2, %dma_wait3A_193] : memref<10000x32xf32, #tpu.memory_space<vmem_shared>> -> memref<625x32xf32, #tpu.memory_space<vmem_shared>>
      %dma_wait3A_195 = arith.constant 0 : i32
      %dma_wait3A_196 = tpu.memref_slice %arg2[%arg0, %mul3A_2, %dma_wait3A_195] : memref<2x10000x32xf32, #tpu.memory_space<hbm>> -> memref<1x625x32xf32, #tpu.memory_space<hbm>>
      %dma_wait3A_197 = tpu.memref_squeeze %dma_wait3A_196 : memref<1x625x32xf32, #tpu.memory_space<hbm>> -> memref<625x32xf32, #tpu.memory_space<hbm>>
      tpu.wait_dma2 semaphore(%run_scoped3A : memref<!tpu.dma_semaphore, #tpu.memory_space<semaphore_mem>>) src(%dma_wait3A_197 : memref<625x32xf32, #tpu.memory_space<hbm>>) dst(%dma_wait3A_194 : memref<625x32xf32, #tpu.memory_space<vmem_shared>>)
      tpu.yield
    }) : () -> ()
    "tpu.region"() ({
      %run_scoped3A = tpu.sem_alloc : memref<!tpu.dma_semaphore, #tpu.memory_space<semaphore_mem>>
      %dma_start3A_188 = arith.constant 0 : i32
      %dma_start3A_189 = arith.constant 0 : i32
      %dma_start3A_190 = tpu.memref_slice %arg3[%arg1, %dma_start3A_188, %dma_start3A_189] : memref<16x160x125xi32, #tpu.memory_space<hbm>> -> memref<1x160x125xi32, #tpu.memory_space<hbm>>
      %dma_start3A_191 = tpu.memref_squeeze %dma_start3A_190 : memref<1x160x125xi32, #tpu.memory_space<hbm>> -> memref<160x125xi32, #tpu.memory_space<hbm>>
      %dma_start3A_192 = arith.constant 0 : i32
      %dma_start3A_193 = arith.constant 0 : i32
      %dma_start3A_194 = tpu.memref_slice %arg3[%arg1, %dma_start3A_192, %dma_start3A_193] : memref<16x160x125xi32, #tpu.memory_space<hbm>> -> memref<1x160x125xi32, #tpu.memory_space<hbm>>
      %dma_start3A_195 = tpu.memref_squeeze %dma_start3A_194 : memref<1x160x125xi32, #tpu.memory_space<hbm>> -> memref<160x125xi32, #tpu.memory_space<hbm>>
      tpu.enqueue_dma source(%dma_start3A_195 : memref<160x125xi32, #tpu.memory_space<hbm>>) target(%arg9 : memref<160x125xi32, #tpu.memory_space<vmem>>) target_semaphore(%run_scoped3A : memref<!tpu.dma_semaphore, #tpu.memory_space<semaphore_mem>>)
      %dma_wait3A_196 = arith.constant 0 : i32
      %dma_wait3A_197 = arith.constant 0 : i32
      %dma_wait3A_198 = tpu.memref_slice %arg3[%arg1, %dma_wait3A_196, %dma_wait3A_197] : memref<16x160x125xi32, #tpu.memory_space<hbm>> -> memref<1x160x125xi32, #tpu.memory_space<hbm>>
      %dma_wait3A_199 = tpu.memref_squeeze %dma_wait3A_198 : memref<1x160x125xi32, #tpu.memory_space<hbm>> -> memref<160x125xi32, #tpu.memory_space<hbm>>
      %dma_wait3A_200 = arith.constant 0 : i32
      %dma_wait3A_201 = arith.constant 0 : i32
      %dma_wait3A_202 = tpu.memref_slice %arg3[%arg1, %dma_wait3A_200, %dma_wait3A_201] : memref<16x160x125xi32, #tpu.memory_space<hbm>> -> memref<1x160x125xi32, #tpu.memory_space<hbm>>
      %dma_wait3A_203 = tpu.memref_squeeze %dma_wait3A_202 : memref<1x160x125xi32, #tpu.memory_space<hbm>> -> memref<160x125xi32, #tpu.memory_space<hbm>>
      tpu.wait_dma2 semaphore(%run_scoped3A : memref<!tpu.dma_semaphore, #tpu.memory_space<semaphore_mem>>) src(%dma_wait3A_203 : memref<160x125xi32, #tpu.memory_space<hbm>>) dst(%arg9 : memref<160x125xi32, #tpu.memory_space<vmem>>)
      tpu.yield
    }) : () -> ()
    "tpu.region"() ({
      %run_scoped3A = tpu.sem_alloc : memref<!tpu.dma_semaphore, #tpu.memory_space<semaphore_mem>>
      %dma_start3A_188 = arith.constant 0 : i32
      %dma_start3A_189 = arith.constant 0 : i32
      %dma_start3A_190 = tpu.memref_slice %arg4[%arg1, %dma_start3A_188, %dma_start3A_189] : memref<16x160x125xi32, #tpu.memory_space<hbm>> -> memref<1x160x125xi32, #tpu.memory_space<hbm>>
      %dma_start3A_191 = tpu.memref_squeeze %dma_start3A_190 : memref<1x160x125xi32, #tpu.memory_space<hbm>> -> memref<160x125xi32, #tpu.memory_space<hbm>>
      %dma_start3A_192 = arith.constant 0 : i32
      %dma_start3A_193 = arith.constant 0 : i32
      %dma_start3A_194 = tpu.memref_slice %arg4[%arg1, %dma_start3A_192, %dma_start3A_193] : memref<16x160x125xi32, #tpu.memory_space<hbm>> -> memref<1x160x125xi32, #tpu.memory_space<hbm>>
      %dma_start3A_195 = tpu.memref_squeeze %dma_start3A_194 : memref<1x160x125xi32, #tpu.memory_space<hbm>> -> memref<160x125xi32, #tpu.memory_space<hbm>>
      tpu.enqueue_dma source(%dma_start3A_195 : memref<160x125xi32, #tpu.memory_space<hbm>>) target(%arg10 : memref<160x125xi32, #tpu.memory_space<vmem>>) target_semaphore(%run_scoped3A : memref<!tpu.dma_semaphore, #tpu.memory_space<semaphore_mem>>)
      %dma_wait3A_196 = arith.constant 0 : i32
      %dma_wait3A_197 = arith.constant 0 : i32
      %dma_wait3A_198 = tpu.memref_slice %arg4[%arg1, %dma_wait3A_196, %dma_wait3A_197] : memref<16x160x125xi32, #tpu.memory_space<hbm>> -> memref<1x160x125xi32, #tpu.memory_space<hbm>>
      %dma_wait3A_199 = tpu.memref_squeeze %dma_wait3A_198 : memref<1x160x125xi32, #tpu.memory_space<hbm>> -> memref<160x125xi32, #tpu.memory_space<hbm>>
      %dma_wait3A_200 = arith.constant 0 : i32
      %dma_wait3A_201 = arith.constant 0 : i32
      %dma_wait3A_202 = tpu.memref_slice %arg4[%arg1, %dma_wait3A_200, %dma_wait3A_201] : memref<16x160x125xi32, #tpu.memory_space<hbm>> -> memref<1x160x125xi32, #tpu.memory_space<hbm>>
      %dma_wait3A_203 = tpu.memref_squeeze %dma_wait3A_202 : memref<1x160x125xi32, #tpu.memory_space<hbm>> -> memref<160x125xi32, #tpu.memory_space<hbm>>
      tpu.wait_dma2 semaphore(%run_scoped3A : memref<!tpu.dma_semaphore, #tpu.memory_space<semaphore_mem>>) src(%dma_wait3A_203 : memref<160x125xi32, #tpu.memory_space<hbm>>) dst(%arg10 : memref<160x125xi32, #tpu.memory_space<vmem>>)
      tpu.yield
    }) : () -> ()
    %barrier3A = arith.constant 0 : index
    tpu.barrier barrier_id(%barrier3A)
    %dma_start3A = arith.constant 0 : i32
    %dma_start3A_3 = arith.constant 0 : i32
    %dma_start3A_4 = arith.constant 0 : i32
    %dma_start3A_5 = arith.constant 0 : i32
    %dma_start3A_6 = arith.constant 0 : i32
    %dma_start3A_7 = tpu.memref_slice %arg11[%dma_start3A_3, %dma_start3A_5, %dma_start3A_6] : memref<8x125x32xf32, #tpu.memory_space<vmem>> -> memref<1x125x32xf32, #tpu.memory_space<vmem>>
    %dma_start3A_8 = tpu.memref_squeeze %dma_start3A_7 : memref<1x125x32xf32, #tpu.memory_space<vmem>> -> memref<125x32xf32, #tpu.memory_space<vmem>>
    %dma_start3A_9 = arith.constant 0 : i32
    %dma_start3A_10 = tpu.memref_slice %arg9[%dma_start3A, %dma_start3A_9] : memref<160x125xi32, #tpu.memory_space<vmem>> -> memref<1x125xi32, #tpu.memory_space<vmem>>
    %dma_start3A_11 = tpu.memref_squeeze %dma_start3A_10 : memref<1x125xi32, #tpu.memory_space<vmem>> -> memref<125xi32, #tpu.memory_space<vmem>>
    %dma_start3A_12 = arith.constant 0 : i32
    %dma_start3A_13 = arith.constant 0 : i32
    %dma_start3A_14 = tpu.memref_slice %arg8[%dma_start3A_12, %dma_start3A_13] : memref<10000x32xf32, #tpu.memory_space<vmem_shared>> -> memref<10000x32xf32, #tpu.memory_space<vmem_shared>>
    %dma_start3A_15 = tpu.memref_slice %arg12[%dma_start3A_4] : memref<8x!tpu.dma_semaphore, #tpu.memory_space<semaphore_mem>> -> memref<1x!tpu.dma_semaphore, #tpu.memory_space<semaphore_mem>>
    %dma_start3A_16 = tpu.memref_squeeze %dma_start3A_15 : memref<1x!tpu.dma_semaphore, #tpu.memory_space<semaphore_mem>> -> memref<!tpu.dma_semaphore, #tpu.memory_space<semaphore_mem>>
    tpu.enqueue_indirect_dma source(%dma_start3A_14 : memref<10000x32xf32, #tpu.memory_space<vmem_shared>>) target(%dma_start3A_8 : memref<125x32xf32, #tpu.memory_space<vmem>>) offsets(%dma_start3A_11 : memref<125xi32, #tpu.memory_space<vmem>>) semaphore(%dma_start3A_16 : memref<!tpu.dma_semaphore, #tpu.memory_space<semaphore_mem>>)
    %dma_start3A_17 = arith.constant 1 : i32
    %dma_start3A_18 = arith.constant 1 : i32
    %dma_start3A_19 = arith.constant 1 : i32
    %dma_start3A_20 = arith.constant 0 : i32
    %dma_start3A_21 = arith.constant 0 : i32
    %dma_start3A_22 = tpu.memref_slice %arg11[%dma_start3A_18, %dma_start3A_20, %dma_start3A_21] : memref<8x125x32xf32, #tpu.memory_space<vmem>> -> memref<1x125x32xf32, #tpu.memory_space<vmem>>
    %dma_start3A_23 = tpu.memref_squeeze %dma_start3A_22 : memref<1x125x32xf32, #tpu.memory_space<vmem>> -> memref<125x32xf32, #tpu.memory_space<vmem>>
    %dma_start3A_24 = arith.constant 0 : i32
    %dma_start3A_25 = tpu.memref_slice %arg9[%dma_start3A_17, %dma_start3A_24] : memref<160x125xi32, #tpu.memory_space<vmem>> -> memref<1x125xi32, #tpu.memory_space<vmem>>
    %dma_start3A_26 = tpu.memref_squeeze %dma_start3A_25 : memref<1x125xi32, #tpu.memory_space<vmem>> -> memref<125xi32, #tpu.memory_space<vmem>>
    %dma_start3A_27 = arith.constant 0 : i32
    %dma_start3A_28 = arith.constant 0 : i32
    %dma_start3A_29 = tpu.memref_slice %arg8[%dma_start3A_27, %dma_start3A_28] : memref<10000x32xf32, #tpu.memory_space<vmem_shared>> -> memref<10000x32xf32, #tpu.memory_space<vmem_shared>>
    %dma_start3A_30 = tpu.memref_slice %arg12[%dma_start3A_19] : memref<8x!tpu.dma_semaphore, #tpu.memory_space<semaphore_mem>> -> memref<1x!tpu.dma_semaphore, #tpu.memory_space<semaphore_mem>>
    %dma_start3A_31 = tpu.memref_squeeze %dma_start3A_30 : memref<1x!tpu.dma_semaphore, #tpu.memory_space<semaphore_mem>> -> memref<!tpu.dma_semaphore, #tpu.memory_space<semaphore_mem>>
    tpu.enqueue_indirect_dma source(%dma_start3A_29 : memref<10000x32xf32, #tpu.memory_space<vmem_shared>>) target(%dma_start3A_23 : memref<125x32xf32, #tpu.memory_space<vmem>>) offsets(%dma_start3A_26 : memref<125xi32, #tpu.memory_space<vmem>>) semaphore(%dma_start3A_31 : memref<!tpu.dma_semaphore, #tpu.memory_space<semaphore_mem>>)
    %dma_start3A_32 = arith.constant 2 : i32
    %dma_start3A_33 = arith.constant 2 : i32
    %dma_start3A_34 = arith.constant 2 : i32
    %dma_start3A_35 = arith.constant 0 : i32
    %dma_start3A_36 = arith.constant 0 : i32
    %dma_start3A_37 = tpu.memref_slice %arg11[%dma_start3A_33, %dma_start3A_35, %dma_start3A_36] : memref<8x125x32xf32, #tpu.memory_space<vmem>> -> memref<1x125x32xf32, #tpu.memory_space<vmem>>
    %dma_start3A_38 = tpu.memref_squeeze %dma_start3A_37 : memref<1x125x32xf32, #tpu.memory_space<vmem>> -> memref<125x32xf32, #tpu.memory_space<vmem>>
    %dma_start3A_39 = arith.constant 0 : i32
    %dma_start3A_40 = tpu.memref_slice %arg9[%dma_start3A_32, %dma_start3A_39] : memref<160x125xi32, #tpu.memory_space<vmem>> -> memref<1x125xi32, #tpu.memory_space<vmem>>
    %dma_start3A_41 = tpu.memref_squeeze %dma_start3A_40 : memref<1x125xi32, #tpu.memory_space<vmem>> -> memref<125xi32, #tpu.memory_space<vmem>>
    %dma_start3A_42 = arith.constant 0 : i32
    %dma_start3A_43 = arith.constant 0 : i32
    %dma_start3A_44 = tpu.memref_slice %arg8[%dma_start3A_42, %dma_start3A_43] : memref<10000x32xf32, #tpu.memory_space<vmem_shared>> -> memref<10000x32xf32, #tpu.memory_space<vmem_shared>>
    %dma_start3A_45 = tpu.memref_slice %arg12[%dma_start3A_34] : memref<8x!tpu.dma_semaphore, #tpu.memory_space<semaphore_mem>> -> memref<1x!tpu.dma_semaphore, #tpu.memory_space<semaphore_mem>>
    %dma_start3A_46 = tpu.memref_squeeze %dma_start3A_45 : memref<1x!tpu.dma_semaphore, #tpu.memory_space<semaphore_mem>> -> memref<!tpu.dma_semaphore, #tpu.memory_space<semaphore_mem>>
    tpu.enqueue_indirect_dma source(%dma_start3A_44 : memref<10000x32xf32, #tpu.memory_space<vmem_shared>>) target(%dma_start3A_38 : memref<125x32xf32, #tpu.memory_space<vmem>>) offsets(%dma_start3A_41 : memref<125xi32, #tpu.memory_space<vmem>>) semaphore(%dma_start3A_46 : memref<!tpu.dma_semaphore, #tpu.memory_space<semaphore_mem>>)
    %dma_start3A_47 = arith.constant 3 : i32
    %dma_start3A_48 = arith.constant 3 : i32
    %dma_start3A_49 = arith.constant 3 : i32
    %dma_start3A_50 = arith.constant 0 : i32
    %dma_start3A_51 = arith.constant 0 : i32
    %dma_start3A_52 = tpu.memref_slice %arg11[%dma_start3A_48, %dma_start3A_50, %dma_start3A_51] : memref<8x125x32xf32, #tpu.memory_space<vmem>> -> memref<1x125x32xf32, #tpu.memory_space<vmem>>
    %dma_start3A_53 = tpu.memref_squeeze %dma_start3A_52 : memref<1x125x32xf32, #tpu.memory_space<vmem>> -> memref<125x32xf32, #tpu.memory_space<vmem>>
    %dma_start3A_54 = arith.constant 0 : i32
    %dma_start3A_55 = tpu.memref_slice %arg9[%dma_start3A_47, %dma_start3A_54] : memref<160x125xi32, #tpu.memory_space<vmem>> -> memref<1x125xi32, #tpu.memory_space<vmem>>
    %dma_start3A_56 = tpu.memref_squeeze %dma_start3A_55 : memref<1x125xi32, #tpu.memory_space<vmem>> -> memref<125xi32, #tpu.memory_space<vmem>>
    %dma_start3A_57 = arith.constant 0 : i32
    %dma_start3A_58 = arith.constant 0 : i32
    %dma_start3A_59 = tpu.memref_slice %arg8[%dma_start3A_57, %dma_start3A_58] : memref<10000x32xf32, #tpu.memory_space<vmem_shared>> -> memref<10000x32xf32, #tpu.memory_space<vmem_shared>>
    %dma_start3A_60 = tpu.memref_slice %arg12[%dma_start3A_49] : memref<8x!tpu.dma_semaphore, #tpu.memory_space<semaphore_mem>> -> memref<1x!tpu.dma_semaphore, #tpu.memory_space<semaphore_mem>>
    %dma_start3A_61 = tpu.memref_squeeze %dma_start3A_60 : memref<1x!tpu.dma_semaphore, #tpu.memory_space<semaphore_mem>> -> memref<!tpu.dma_semaphore, #tpu.memory_space<semaphore_mem>>
    tpu.enqueue_indirect_dma source(%dma_start3A_59 : memref<10000x32xf32, #tpu.memory_space<vmem_shared>>) target(%dma_start3A_53 : memref<125x32xf32, #tpu.memory_space<vmem>>) offsets(%dma_start3A_56 : memref<125xi32, #tpu.memory_space<vmem>>) semaphore(%dma_start3A_61 : memref<!tpu.dma_semaphore, #tpu.memory_space<semaphore_mem>>)
    %scan3A = arith.constant 0 : i32
    %scan3A_62 = arith.constant 0 : i32
    %scan3A_63 = arith.constant 160 : i32
    %scan3A_64 = arith.addi %scan3A_62, %scan3A_63 : i32
    %scan3A_65 = arith.constant 1 : i32
    %scan3A_66 = scf.for %scan3A_188 = %scan3A_62 to %scan3A_64 step %scan3A_65 iter_args(%scan3A_189 = %scan3A) -> (i32)  : i32 {
      %add3A = arith.constant 4 : i32
      %add3A_190 = arith.addi %scan3A_188, %add3A : i32
      %rem3A = arith.constant 8 : i32
      %rem3A_191 = arith.remsi %add3A_190, %rem3A : i32
      %lt3A = arith.constant 160 : i32
      %lt3A_192 = arith.cmpi slt, %add3A_190, %lt3A : i32
      %convert_element_type3A = arith.extui %lt3A_192 : i1 to i32
      %cond3A = arith.constant 0 : i32
      %cond3A_193 = arith.cmpi ne, %convert_element_type3A, %cond3A : i32
      scf.if %cond3A_193 {
        %ge3A = arith.constant 4 : i32
        %ge3A_221 = arith.cmpi sge, %scan3A_188, %ge3A : i32
        %convert_element_type3A_222 = arith.extui %ge3A_221 : i1 to i32
        %cond3A_223 = arith.constant 0 : i32
        %cond3A_224 = arith.cmpi ne, %convert_element_type3A_222, %cond3A_223 : i32
        scf.if %cond3A_224 {
          %sub3A = arith.constant 4 : i32
          %sub3A_237 = arith.subi %scan3A_188, %sub3A : i32
          %dma_wait3A_238 = arith.constant 0 : i32
          %dma_wait3A_239 = arith.constant 0 : i32
          %dma_wait3A_240 = tpu.memref_slice %arg11[%rem3A_191, %dma_wait3A_238, %dma_wait3A_239] : memref<8x125x32xf32, #tpu.memory_space<vmem>> -> memref<1x125x32xf32, #tpu.memory_space<vmem>>
          %dma_wait3A_241 = tpu.memref_squeeze %dma_wait3A_240 : memref<1x125x32xf32, #tpu.memory_space<vmem>> -> memref<125x32xf32, #tpu.memory_space<vmem>>
          %dma_wait3A_242 = arith.constant 0 : i32
          %dma_wait3A_243 = tpu.memref_slice %arg10[%sub3A_237, %dma_wait3A_242] : memref<160x125xi32, #tpu.memory_space<vmem>> -> memref<1x125xi32, #tpu.memory_space<vmem>>
          %dma_wait3A_244 = tpu.memref_squeeze %dma_wait3A_243 : memref<1x125xi32, #tpu.memory_space<vmem>> -> memref<125xi32, #tpu.memory_space<vmem>>
          %dma_wait3A_245 = arith.constant 0 : i32
          %dma_wait3A_246 = arith.constant 0 : i32
          %dma_wait3A_247 = tpu.memref_slice %arg7[%dma_wait3A_245, %dma_wait3A_246] : memref<10240x32xf32, #tpu.memory_space<vmem_shared>> -> memref<10240x32xf32, #tpu.memory_space<vmem_shared>>
          %dma_wait3A_248 = tpu.memref_slice %arg13[%rem3A_191] : memref<8x!tpu.dma_semaphore, #tpu.memory_space<semaphore_mem>> -> memref<1x!tpu.dma_semaphore, #tpu.memory_space<semaphore_mem>>
          %dma_wait3A_249 = tpu.memref_squeeze %dma_wait3A_248 : memref<1x!tpu.dma_semaphore, #tpu.memory_space<semaphore_mem>> -> memref<!tpu.dma_semaphore, #tpu.memory_space<semaphore_mem>>
          tpu.wait_indirect_dma semaphore(%dma_wait3A_249 : memref<!tpu.dma_semaphore, #tpu.memory_space<semaphore_mem>>) src(%dma_wait3A_241 : memref<125x32xf32, #tpu.memory_space<vmem>>) dst(%dma_wait3A_247 : memref<10240x32xf32, #tpu.memory_space<vmem_shared>>)
        } else {
        }
        %dma_start3A_225 = arith.constant 0 : i32
        %dma_start3A_226 = arith.constant 0 : i32
        %dma_start3A_227 = tpu.memref_slice %arg11[%rem3A_191, %dma_start3A_225, %dma_start3A_226] : memref<8x125x32xf32, #tpu.memory_space<vmem>> -> memref<1x125x32xf32, #tpu.memory_space<vmem>>
        %dma_start3A_228 = tpu.memref_squeeze %dma_start3A_227 : memref<1x125x32xf32, #tpu.memory_space<vmem>> -> memref<125x32xf32, #tpu.memory_space<vmem>>
        %dma_start3A_229 = arith.constant 0 : i32
        %dma_start3A_230 = tpu.memref_slice %arg9[%add3A_190, %dma_start3A_229] : memref<160x125xi32, #tpu.memory_space<vmem>> -> memref<1x125xi32, #tpu.memory_space<vmem>>
        %dma_start3A_231 = tpu.memref_squeeze %dma_start3A_230 : memref<1x125xi32, #tpu.memory_space<vmem>> -> memref<125xi32, #tpu.memory_space<vmem>>
        %dma_start3A_232 = arith.constant 0 : i32
        %dma_start3A_233 = arith.constant 0 : i32
        %dma_start3A_234 = tpu.memref_slice %arg8[%dma_start3A_232, %dma_start3A_233] : memref<10000x32xf32, #tpu.memory_space<vmem_shared>> -> memref<10000x32xf32, #tpu.memory_space<vmem_shared>>
        %dma_start3A_235 = tpu.memref_slice %arg12[%rem3A_191] : memref<8x!tpu.dma_semaphore, #tpu.memory_space<semaphore_mem>> -> memref<1x!tpu.dma_semaphore, #tpu.memory_space<semaphore_mem>>
        %dma_start3A_236 = tpu.memref_squeeze %dma_start3A_235 : memref<1x!tpu.dma_semaphore, #tpu.memory_space<semaphore_mem>> -> memref<!tpu.dma_semaphore, #tpu.memory_space<semaphore_mem>>
        tpu.enqueue_indirect_dma source(%dma_start3A_234 : memref<10000x32xf32, #tpu.memory_space<vmem_shared>>) target(%dma_start3A_228 : memref<125x32xf32, #tpu.memory_space<vmem>>) offsets(%dma_start3A_231 : memref<125xi32, #tpu.memory_space<vmem>>) semaphore(%dma_start3A_236 : memref<!tpu.dma_semaphore, #tpu.memory_space<semaphore_mem>>)
      } else {
      }
      %rem3A_194 = arith.constant 8 : i32
      %rem3A_195 = arith.remsi %scan3A_188, %rem3A_194 : i32
      %dma_wait3A_196 = arith.constant 0 : i32
      %dma_wait3A_197 = arith.constant 0 : i32
      %dma_wait3A_198 = tpu.memref_slice %arg11[%rem3A_195, %dma_wait3A_196, %dma_wait3A_197] : memref<8x125x32xf32, #tpu.memory_space<vmem>> -> memref<1x125x32xf32, #tpu.memory_space<vmem>>
      %dma_wait3A_199 = tpu.memref_squeeze %dma_wait3A_198 : memref<1x125x32xf32, #tpu.memory_space<vmem>> -> memref<125x32xf32, #tpu.memory_space<vmem>>
      %dma_wait3A_200 = arith.constant 0 : i32
      %dma_wait3A_201 = tpu.memref_slice %arg9[%scan3A_188, %dma_wait3A_200] : memref<160x125xi32, #tpu.memory_space<vmem>> -> memref<1x125xi32, #tpu.memory_space<vmem>>
      %dma_wait3A_202 = tpu.memref_squeeze %dma_wait3A_201 : memref<1x125xi32, #tpu.memory_space<vmem>> -> memref<125xi32, #tpu.memory_space<vmem>>
      %dma_wait3A_203 = arith.constant 0 : i32
      %dma_wait3A_204 = arith.constant 0 : i32
      %dma_wait3A_205 = tpu.memref_slice %arg8[%dma_wait3A_203, %dma_wait3A_204] : memref<10000x32xf32, #tpu.memory_space<vmem_shared>> -> memref<10000x32xf32, #tpu.memory_space<vmem_shared>>
      %dma_wait3A_206 = tpu.memref_slice %arg12[%rem3A_195] : memref<8x!tpu.dma_semaphore, #tpu.memory_space<semaphore_mem>> -> memref<1x!tpu.dma_semaphore, #tpu.memory_space<semaphore_mem>>
      %dma_wait3A_207 = tpu.memref_squeeze %dma_wait3A_206 : memref<1x!tpu.dma_semaphore, #tpu.memory_space<semaphore_mem>> -> memref<!tpu.dma_semaphore, #tpu.memory_space<semaphore_mem>>
      tpu.wait_indirect_dma semaphore(%dma_wait3A_207 : memref<!tpu.dma_semaphore, #tpu.memory_space<semaphore_mem>>) src(%dma_wait3A_205 : memref<10000x32xf32, #tpu.memory_space<vmem_shared>>) dst(%dma_wait3A_199 : memref<125x32xf32, #tpu.memory_space<vmem>>)
      %dma_start3A_208 = arith.constant 0 : i32
      %dma_start3A_209 = arith.constant 0 : i32
      %dma_start3A_210 = tpu.memref_slice %arg11[%rem3A_195, %dma_start3A_208, %dma_start3A_209] : memref<8x125x32xf32, #tpu.memory_space<vmem>> -> memref<1x125x32xf32, #tpu.memory_space<vmem>>
      %dma_start3A_211 = tpu.memref_squeeze %dma_start3A_210 : memref<1x125x32xf32, #tpu.memory_space<vmem>> -> memref<125x32xf32, #tpu.memory_space<vmem>>
      %dma_start3A_212 = arith.constant 0 : i32
      %dma_start3A_213 = tpu.memref_slice %arg10[%scan3A_188, %dma_start3A_212] : memref<160x125xi32, #tpu.memory_space<vmem>> -> memref<1x125xi32, #tpu.memory_space<vmem>>
      %dma_start3A_214 = tpu.memref_squeeze %dma_start3A_213 : memref<1x125xi32, #tpu.memory_space<vmem>> -> memref<125xi32, #tpu.memory_space<vmem>>
      %dma_start3A_215 = arith.constant 0 : i32
      %dma_start3A_216 = arith.constant 0 : i32
      %dma_start3A_217 = tpu.memref_slice %arg7[%dma_start3A_215, %dma_start3A_216] : memref<10240x32xf32, #tpu.memory_space<vmem_shared>> -> memref<10240x32xf32, #tpu.memory_space<vmem_shared>>
      %dma_start3A_218 = tpu.memref_slice %arg13[%rem3A_195] : memref<8x!tpu.dma_semaphore, #tpu.memory_space<semaphore_mem>> -> memref<1x!tpu.dma_semaphore, #tpu.memory_space<semaphore_mem>>
      %dma_start3A_219 = tpu.memref_squeeze %dma_start3A_218 : memref<1x!tpu.dma_semaphore, #tpu.memory_space<semaphore_mem>> -> memref<!tpu.dma_semaphore, #tpu.memory_space<semaphore_mem>>
      tpu.enqueue_indirect_dma source(%dma_start3A_211 : memref<125x32xf32, #tpu.memory_space<vmem>>) target(%dma_start3A_217 : memref<10240x32xf32, #tpu.memory_space<vmem_shared>>) offsets(%dma_start3A_214 : memref<125xi32, #tpu.memory_space<vmem>>) semaphore(%dma_start3A_219 : memref<!tpu.dma_semaphore, #tpu.memory_space<semaphore_mem>>) {add = true}
      %scan3A_220 = arith.constant 0 : i32
      scf.yield %scan3A_220 : i32
    }
    %scan3A_67 = arith.constant 160 : i32
    %dma_wait3A = arith.constant 0 : i32
    %dma_wait3A_68 = arith.constant 152 : i32
    %dma_wait3A_69 = arith.constant 0 : i32
    %dma_wait3A_70 = arith.constant 0 : i32
    %dma_wait3A_71 = arith.constant 0 : i32
    %dma_wait3A_72 = tpu.memref_slice %arg11[%dma_wait3A, %dma_wait3A_70, %dma_wait3A_71] : memref<8x125x32xf32, #tpu.memory_space<vmem>> -> memref<1x125x32xf32, #tpu.memory_space<vmem>>
    %dma_wait3A_73 = tpu.memref_squeeze %dma_wait3A_72 : memref<1x125x32xf32, #tpu.memory_space<vmem>> -> memref<125x32xf32, #tpu.memory_space<vmem>>
    %dma_wait3A_74 = arith.constant 0 : i32
    %dma_wait3A_75 = tpu.memref_slice %arg10[%dma_wait3A_68, %dma_wait3A_74] : memref<160x125xi32, #tpu.memory_space<vmem>> -> memref<1x125xi32, #tpu.memory_space<vmem>>
    %dma_wait3A_76 = tpu.memref_squeeze %dma_wait3A_75 : memref<1x125xi32, #tpu.memory_space<vmem>> -> memref<125xi32, #tpu.memory_space<vmem>>
    %dma_wait3A_77 = arith.constant 0 : i32
    %dma_wait3A_78 = arith.constant 0 : i32
    %dma_wait3A_79 = tpu.memref_slice %arg7[%dma_wait3A_77, %dma_wait3A_78] : memref<10240x32xf32, #tpu.memory_space<vmem_shared>> -> memref<10240x32xf32, #tpu.memory_space<vmem_shared>>
    %dma_wait3A_80 = tpu.memref_slice %arg13[%dma_wait3A_69] : memref<8x!tpu.dma_semaphore, #tpu.memory_space<semaphore_mem>> -> memref<1x!tpu.dma_semaphore, #tpu.memory_space<semaphore_mem>>
    %dma_wait3A_81 = tpu.memref_squeeze %dma_wait3A_80 : memref<1x!tpu.dma_semaphore, #tpu.memory_space<semaphore_mem>> -> memref<!tpu.dma_semaphore, #tpu.memory_space<semaphore_mem>>
    tpu.wait_indirect_dma semaphore(%dma_wait3A_81 : memref<!tpu.dma_semaphore, #tpu.memory_space<semaphore_mem>>) src(%dma_wait3A_73 : memref<125x32xf32, #tpu.memory_space<vmem>>) dst(%dma_wait3A_79 : memref<10240x32xf32, #tpu.memory_space<vmem_shared>>)
    %dma_wait3A_82 = arith.constant 1 : i32
    %dma_wait3A_83 = arith.constant 153 : i32
    %dma_wait3A_84 = arith.constant 1 : i32
    %dma_wait3A_85 = arith.constant 0 : i32
    %dma_wait3A_86 = arith.constant 0 : i32
    %dma_wait3A_87 = tpu.memref_slice %arg11[%dma_wait3A_82, %dma_wait3A_85, %dma_wait3A_86] : memref<8x125x32xf32, #tpu.memory_space<vmem>> -> memref<1x125x32xf32, #tpu.memory_space<vmem>>
    %dma_wait3A_88 = tpu.memref_squeeze %dma_wait3A_87 : memref<1x125x32xf32, #tpu.memory_space<vmem>> -> memref<125x32xf32, #tpu.memory_space<vmem>>
    %dma_wait3A_89 = arith.constant 0 : i32
    %dma_wait3A_90 = tpu.memref_slice %arg10[%dma_wait3A_83, %dma_wait3A_89] : memref<160x125xi32, #tpu.memory_space<vmem>> -> memref<1x125xi32, #tpu.memory_space<vmem>>
    %dma_wait3A_91 = tpu.memref_squeeze %dma_wait3A_90 : memref<1x125xi32, #tpu.memory_space<vmem>> -> memref<125xi32, #tpu.memory_space<vmem>>
    %dma_wait3A_92 = arith.constant 0 : i32
    %dma_wait3A_93 = arith.constant 0 : i32
    %dma_wait3A_94 = tpu.memref_slice %arg7[%dma_wait3A_92, %dma_wait3A_93] : memref<10240x32xf32, #tpu.memory_space<vmem_shared>> -> memref<10240x32xf32, #tpu.memory_space<vmem_shared>>
    %dma_wait3A_95 = tpu.memref_slice %arg13[%dma_wait3A_84] : memref<8x!tpu.dma_semaphore, #tpu.memory_space<semaphore_mem>> -> memref<1x!tpu.dma_semaphore, #tpu.memory_space<semaphore_mem>>
    %dma_wait3A_96 = tpu.memref_squeeze %dma_wait3A_95 : memref<1x!tpu.dma_semaphore, #tpu.memory_space<semaphore_mem>> -> memref<!tpu.dma_semaphore, #tpu.memory_space<semaphore_mem>>
    tpu.wait_indirect_dma semaphore(%dma_wait3A_96 : memref<!tpu.dma_semaphore, #tpu.memory_space<semaphore_mem>>) src(%dma_wait3A_88 : memref<125x32xf32, #tpu.memory_space<vmem>>) dst(%dma_wait3A_94 : memref<10240x32xf32, #tpu.memory_space<vmem_shared>>)
    %dma_wait3A_97 = arith.constant 2 : i32
    %dma_wait3A_98 = arith.constant 154 : i32
    %dma_wait3A_99 = arith.constant 2 : i32
    %dma_wait3A_100 = arith.constant 0 : i32
    %dma_wait3A_101 = arith.constant 0 : i32
    %dma_wait3A_102 = tpu.memref_slice %arg11[%dma_wait3A_97, %dma_wait3A_100, %dma_wait3A_101] : memref<8x125x32xf32, #tpu.memory_space<vmem>> -> memref<1x125x32xf32, #tpu.memory_space<vmem>>
    %dma_wait3A_103 = tpu.memref_squeeze %dma_wait3A_102 : memref<1x125x32xf32, #tpu.memory_space<vmem>> -> memref<125x32xf32, #tpu.memory_space<vmem>>
    %dma_wait3A_104 = arith.constant 0 : i32
    %dma_wait3A_105 = tpu.memref_slice %arg10[%dma_wait3A_98, %dma_wait3A_104] : memref<160x125xi32, #tpu.memory_space<vmem>> -> memref<1x125xi32, #tpu.memory_space<vmem>>
    %dma_wait3A_106 = tpu.memref_squeeze %dma_wait3A_105 : memref<1x125xi32, #tpu.memory_space<vmem>> -> memref<125xi32, #tpu.memory_space<vmem>>
    %dma_wait3A_107 = arith.constant 0 : i32
    %dma_wait3A_108 = arith.constant 0 : i32
    %dma_wait3A_109 = tpu.memref_slice %arg7[%dma_wait3A_107, %dma_wait3A_108] : memref<10240x32xf32, #tpu.memory_space<vmem_shared>> -> memref<10240x32xf32, #tpu.memory_space<vmem_shared>>
    %dma_wait3A_110 = tpu.memref_slice %arg13[%dma_wait3A_99] : memref<8x!tpu.dma_semaphore, #tpu.memory_space<semaphore_mem>> -> memref<1x!tpu.dma_semaphore, #tpu.memory_space<semaphore_mem>>
    %dma_wait3A_111 = tpu.memref_squeeze %dma_wait3A_110 : memref<1x!tpu.dma_semaphore, #tpu.memory_space<semaphore_mem>> -> memref<!tpu.dma_semaphore, #tpu.memory_space<semaphore_mem>>
    tpu.wait_indirect_dma semaphore(%dma_wait3A_111 : memref<!tpu.dma_semaphore, #tpu.memory_space<semaphore_mem>>) src(%dma_wait3A_103 : memref<125x32xf32, #tpu.memory_space<vmem>>) dst(%dma_wait3A_109 : memref<10240x32xf32, #tpu.memory_space<vmem_shared>>)
    %dma_wait3A_112 = arith.constant 3 : i32
    %dma_wait3A_113 = arith.constant 155 : i32
    %dma_wait3A_114 = arith.constant 3 : i32
    %dma_wait3A_115 = arith.constant 0 : i32
    %dma_wait3A_116 = arith.constant 0 : i32
    %dma_wait3A_117 = tpu.memref_slice %arg11[%dma_wait3A_112, %dma_wait3A_115, %dma_wait3A_116] : memref<8x125x32xf32, #tpu.memory_space<vmem>> -> memref<1x125x32xf32, #tpu.memory_space<vmem>>
    %dma_wait3A_118 = tpu.memref_squeeze %dma_wait3A_117 : memref<1x125x32xf32, #tpu.memory_space<vmem>> -> memref<125x32xf32, #tpu.memory_space<vmem>>
    %dma_wait3A_119 = arith.constant 0 : i32
    %dma_wait3A_120 = tpu.memref_slice %arg10[%dma_wait3A_113, %dma_wait3A_119] : memref<160x125xi32, #tpu.memory_space<vmem>> -> memref<1x125xi32, #tpu.memory_space<vmem>>
    %dma_wait3A_121 = tpu.memref_squeeze %dma_wait3A_120 : memref<1x125xi32, #tpu.memory_space<vmem>> -> memref<125xi32, #tpu.memory_space<vmem>>
    %dma_wait3A_122 = arith.constant 0 : i32
    %dma_wait3A_123 = arith.constant 0 : i32
    %dma_wait3A_124 = tpu.memref_slice %arg7[%dma_wait3A_122, %dma_wait3A_123] : memref<10240x32xf32, #tpu.memory_space<vmem_shared>> -> memref<10240x32xf32, #tpu.memory_space<vmem_shared>>
    %dma_wait3A_125 = tpu.memref_slice %arg13[%dma_wait3A_114] : memref<8x!tpu.dma_semaphore, #tpu.memory_space<semaphore_mem>> -> memref<1x!tpu.dma_semaphore, #tpu.memory_space<semaphore_mem>>
    %dma_wait3A_126 = tpu.memref_squeeze %dma_wait3A_125 : memref<1x!tpu.dma_semaphore, #tpu.memory_space<semaphore_mem>> -> memref<!tpu.dma_semaphore, #tpu.memory_space<semaphore_mem>>
    tpu.wait_indirect_dma semaphore(%dma_wait3A_126 : memref<!tpu.dma_semaphore, #tpu.memory_space<semaphore_mem>>) src(%dma_wait3A_118 : memref<125x32xf32, #tpu.memory_space<vmem>>) dst(%dma_wait3A_124 : memref<10240x32xf32, #tpu.memory_space<vmem_shared>>)
    %dma_wait3A_127 = arith.constant 4 : i32
    %dma_wait3A_128 = arith.constant 156 : i32
    %dma_wait3A_129 = arith.constant 4 : i32
    %dma_wait3A_130 = arith.constant 0 : i32
    %dma_wait3A_131 = arith.constant 0 : i32
    %dma_wait3A_132 = tpu.memref_slice %arg11[%dma_wait3A_127, %dma_wait3A_130, %dma_wait3A_131] : memref<8x125x32xf32, #tpu.memory_space<vmem>> -> memref<1x125x32xf32, #tpu.memory_space<vmem>>
    %dma_wait3A_133 = tpu.memref_squeeze %dma_wait3A_132 : memref<1x125x32xf32, #tpu.memory_space<vmem>> -> memref<125x32xf32, #tpu.memory_space<vmem>>
    %dma_wait3A_134 = arith.constant 0 : i32
    %dma_wait3A_135 = tpu.memref_slice %arg10[%dma_wait3A_128, %dma_wait3A_134] : memref<160x125xi32, #tpu.memory_space<vmem>> -> memref<1x125xi32, #tpu.memory_space<vmem>>
    %dma_wait3A_136 = tpu.memref_squeeze %dma_wait3A_135 : memref<1x125xi32, #tpu.memory_space<vmem>> -> memref<125xi32, #tpu.memory_space<vmem>>
    %dma_wait3A_137 = arith.constant 0 : i32
    %dma_wait3A_138 = arith.constant 0 : i32
    %dma_wait3A_139 = tpu.memref_slice %arg7[%dma_wait3A_137, %dma_wait3A_138] : memref<10240x32xf32, #tpu.memory_space<vmem_shared>> -> memref<10240x32xf32, #tpu.memory_space<vmem_shared>>
    %dma_wait3A_140 = tpu.memref_slice %arg13[%dma_wait3A_129] : memref<8x!tpu.dma_semaphore, #tpu.memory_space<semaphore_mem>> -> memref<1x!tpu.dma_semaphore, #tpu.memory_space<semaphore_mem>>
    %dma_wait3A_141 = tpu.memref_squeeze %dma_wait3A_140 : memref<1x!tpu.dma_semaphore, #tpu.memory_space<semaphore_mem>> -> memref<!tpu.dma_semaphore, #tpu.memory_space<semaphore_mem>>
    tpu.wait_indirect_dma semaphore(%dma_wait3A_141 : memref<!tpu.dma_semaphore, #tpu.memory_space<semaphore_mem>>) src(%dma_wait3A_133 : memref<125x32xf32, #tpu.memory_space<vmem>>) dst(%dma_wait3A_139 : memref<10240x32xf32, #tpu.memory_space<vmem_shared>>)
    %dma_wait3A_142 = arith.constant 5 : i32
    %dma_wait3A_143 = arith.constant 157 : i32
    %dma_wait3A_144 = arith.constant 5 : i32
    %dma_wait3A_145 = arith.constant 0 : i32
    %dma_wait3A_146 = arith.constant 0 : i32
    %dma_wait3A_147 = tpu.memref_slice %arg11[%dma_wait3A_142, %dma_wait3A_145, %dma_wait3A_146] : memref<8x125x32xf32, #tpu.memory_space<vmem>> -> memref<1x125x32xf32, #tpu.memory_space<vmem>>
    %dma_wait3A_148 = tpu.memref_squeeze %dma_wait3A_147 : memref<1x125x32xf32, #tpu.memory_space<vmem>> -> memref<125x32xf32, #tpu.memory_space<vmem>>
    %dma_wait3A_149 = arith.constant 0 : i32
    %dma_wait3A_150 = tpu.memref_slice %arg10[%dma_wait3A_143, %dma_wait3A_149] : memref<160x125xi32, #tpu.memory_space<vmem>> -> memref<1x125xi32, #tpu.memory_space<vmem>>
    %dma_wait3A_151 = tpu.memref_squeeze %dma_wait3A_150 : memref<1x125xi32, #tpu.memory_space<vmem>> -> memref<125xi32, #tpu.memory_space<vmem>>
    %dma_wait3A_152 = arith.constant 0 : i32
    %dma_wait3A_153 = arith.constant 0 : i32
    %dma_wait3A_154 = tpu.memref_slice %arg7[%dma_wait3A_152, %dma_wait3A_153] : memref<10240x32xf32, #tpu.memory_space<vmem_shared>> -> memref<10240x32xf32, #tpu.memory_space<vmem_shared>>
    %dma_wait3A_155 = tpu.memref_slice %arg13[%dma_wait3A_144] : memref<8x!tpu.dma_semaphore, #tpu.memory_space<semaphore_mem>> -> memref<1x!tpu.dma_semaphore, #tpu.memory_space<semaphore_mem>>
    %dma_wait3A_156 = tpu.memref_squeeze %dma_wait3A_155 : memref<1x!tpu.dma_semaphore, #tpu.memory_space<semaphore_mem>> -> memref<!tpu.dma_semaphore, #tpu.memory_space<semaphore_mem>>
    tpu.wait_indirect_dma semaphore(%dma_wait3A_156 : memref<!tpu.dma_semaphore, #tpu.memory_space<semaphore_mem>>) src(%dma_wait3A_148 : memref<125x32xf32, #tpu.memory_space<vmem>>) dst(%dma_wait3A_154 : memref<10240x32xf32, #tpu.memory_space<vmem_shared>>)
    %dma_wait3A_157 = arith.constant 6 : i32
    %dma_wait3A_158 = arith.constant 158 : i32
    %dma_wait3A_159 = arith.constant 6 : i32
    %dma_wait3A_160 = arith.constant 0 : i32
    %dma_wait3A_161 = arith.constant 0 : i32
    %dma_wait3A_162 = tpu.memref_slice %arg11[%dma_wait3A_157, %dma_wait3A_160, %dma_wait3A_161] : memref<8x125x32xf32, #tpu.memory_space<vmem>> -> memref<1x125x32xf32, #tpu.memory_space<vmem>>
    %dma_wait3A_163 = tpu.memref_squeeze %dma_wait3A_162 : memref<1x125x32xf32, #tpu.memory_space<vmem>> -> memref<125x32xf32, #tpu.memory_space<vmem>>
    %dma_wait3A_164 = arith.constant 0 : i32
    %dma_wait3A_165 = tpu.memref_slice %arg10[%dma_wait3A_158, %dma_wait3A_164] : memref<160x125xi32, #tpu.memory_space<vmem>> -> memref<1x125xi32, #tpu.memory_space<vmem>>
    %dma_wait3A_166 = tpu.memref_squeeze %dma_wait3A_165 : memref<1x125xi32, #tpu.memory_space<vmem>> -> memref<125xi32, #tpu.memory_space<vmem>>
    %dma_wait3A_167 = arith.constant 0 : i32
    %dma_wait3A_168 = arith.constant 0 : i32
    %dma_wait3A_169 = tpu.memref_slice %arg7[%dma_wait3A_167, %dma_wait3A_168] : memref<10240x32xf32, #tpu.memory_space<vmem_shared>> -> memref<10240x32xf32, #tpu.memory_space<vmem_shared>>
    %dma_wait3A_170 = tpu.memref_slice %arg13[%dma_wait3A_159] : memref<8x!tpu.dma_semaphore, #tpu.memory_space<semaphore_mem>> -> memref<1x!tpu.dma_semaphore, #tpu.memory_space<semaphore_mem>>
    %dma_wait3A_171 = tpu.memref_squeeze %dma_wait3A_170 : memref<1x!tpu.dma_semaphore, #tpu.memory_space<semaphore_mem>> -> memref<!tpu.dma_semaphore, #tpu.memory_space<semaphore_mem>>
    tpu.wait_indirect_dma semaphore(%dma_wait3A_171 : memref<!tpu.dma_semaphore, #tpu.memory_space<semaphore_mem>>) src(%dma_wait3A_163 : memref<125x32xf32, #tpu.memory_space<vmem>>) dst(%dma_wait3A_169 : memref<10240x32xf32, #tpu.memory_space<vmem_shared>>)
    %dma_wait3A_172 = arith.constant 7 : i32
    %dma_wait3A_173 = arith.constant 159 : i32
    %dma_wait3A_174 = arith.constant 7 : i32
    %dma_wait3A_175 = arith.constant 0 : i32
    %dma_wait3A_176 = arith.constant 0 : i32
    %dma_wait3A_177 = tpu.memref_slice %arg11[%dma_wait3A_172, %dma_wait3A_175, %dma_wait3A_176] : memref<8x125x32xf32, #tpu.memory_space<vmem>> -> memref<1x125x32xf32, #tpu.memory_space<vmem>>
    %dma_wait3A_178 = tpu.memref_squeeze %dma_wait3A_177 : memref<1x125x32xf32, #tpu.memory_space<vmem>> -> memref<125x32xf32, #tpu.memory_space<vmem>>
    %dma_wait3A_179 = arith.constant 0 : i32
    %dma_wait3A_180 = tpu.memref_slice %arg10[%dma_wait3A_173, %dma_wait3A_179] : memref<160x125xi32, #tpu.memory_space<vmem>> -> memref<1x125xi32, #tpu.memory_space<vmem>>
    %dma_wait3A_181 = tpu.memref_squeeze %dma_wait3A_180 : memref<1x125xi32, #tpu.memory_space<vmem>> -> memref<125xi32, #tpu.memory_space<vmem>>
    %dma_wait3A_182 = arith.constant 0 : i32
    %dma_wait3A_183 = arith.constant 0 : i32
    %dma_wait3A_184 = tpu.memref_slice %arg7[%dma_wait3A_182, %dma_wait3A_183] : memref<10240x32xf32, #tpu.memory_space<vmem_shared>> -> memref<10240x32xf32, #tpu.memory_space<vmem_shared>>
    %dma_wait3A_185 = tpu.memref_slice %arg13[%dma_wait3A_174] : memref<8x!tpu.dma_semaphore, #tpu.memory_space<semaphore_mem>> -> memref<1x!tpu.dma_semaphore, #tpu.memory_space<semaphore_mem>>
    %dma_wait3A_186 = tpu.memref_squeeze %dma_wait3A_185 : memref<1x!tpu.dma_semaphore, #tpu.memory_space<semaphore_mem>> -> memref<!tpu.dma_semaphore, #tpu.memory_space<semaphore_mem>>
    tpu.wait_indirect_dma semaphore(%dma_wait3A_186 : memref<!tpu.dma_semaphore, #tpu.memory_space<semaphore_mem>>) src(%dma_wait3A_178 : memref<125x32xf32, #tpu.memory_space<vmem>>) dst(%dma_wait3A_184 : memref<10240x32xf32, #tpu.memory_space<vmem_shared>>)
    %barrier3A_187 = arith.constant 0 : index
    tpu.barrier barrier_id(%barrier3A_187)
    "tpu.region"() ({
      %run_scoped3A = tpu.sem_alloc : memref<!tpu.dma_semaphore, #tpu.memory_space<semaphore_mem>>
      %dma_start3A_188 = arith.constant 0 : i32
      %dma_start3A_189 = tpu.memref_slice %arg6[%arg0, %mul3A_0, %dma_start3A_188] : memref<2x10240x32xf32, #tpu.memory_space<hbm>> -> memref<1x640x32xf32, #tpu.memory_space<hbm>>
      %dma_start3A_190 = tpu.memref_squeeze %dma_start3A_189 : memref<1x640x32xf32, #tpu.memory_space<hbm>> -> memref<640x32xf32, #tpu.memory_space<hbm>>
      %dma_start3A_191 = arith.constant 0 : i32
      %dma_start3A_192 = tpu.memref_slice %arg7[%mul3A_0, %dma_start3A_191] : memref<10240x32xf32, #tpu.memory_space<vmem_shared>> -> memref<640x32xf32, #tpu.memory_space<vmem_shared>>
      tpu.enqueue_dma source(%dma_start3A_192 : memref<640x32xf32, #tpu.memory_space<vmem_shared>>) target(%dma_start3A_190 : memref<640x32xf32, #tpu.memory_space<hbm>>) target_semaphore(%run_scoped3A : memref<!tpu.dma_semaphore, #tpu.memory_space<semaphore_mem>>)
      %dma_wait3A_193 = arith.constant 0 : i32
      %dma_wait3A_194 = tpu.memref_slice %arg6[%arg0, %mul3A_0, %dma_wait3A_193] : memref<2x10240x32xf32, #tpu.memory_space<hbm>> -> memref<1x640x32xf32, #tpu.memory_space<hbm>>
      %dma_wait3A_195 = tpu.memref_squeeze %dma_wait3A_194 : memref<1x640x32xf32, #tpu.memory_space<hbm>> -> memref<640x32xf32, #tpu.memory_space<hbm>>
      %dma_wait3A_196 = arith.constant 0 : i32
      %dma_wait3A_197 = tpu.memref_slice %arg7[%mul3A_0, %dma_wait3A_196] : memref<10240x32xf32, #tpu.memory_space<vmem_shared>> -> memref<640x32xf32, #tpu.memory_space<vmem_shared>>
      tpu.wait_dma2 semaphore(%run_scoped3A : memref<!tpu.dma_semaphore, #tpu.memory_space<semaphore_mem>>) src(%dma_wait3A_197 : memref<640x32xf32, #tpu.memory_space<vmem_shared>>) dst(%dma_wait3A_195 : memref<640x32xf32, #tpu.memory_space<hbm>>)
      tpu.yield
    }) : () -> ()
    return
  }
}

module attributes {stable_mosaic.version = 14 : i64} {
  func.func @_pre_body(%arg0: memref<10000x128xf32, #tpu.memory_space<vmem>>, %arg1: memref<128x64xf32, #tpu.memory_space<vmem>>, %arg2: memref<128x64xf32, #tpu.memory_space<vmem>>, %arg3: memref<1x64xf32, #tpu.memory_space<vmem>>, %arg4: memref<2x10000x32xf32, #tpu.memory_space<vmem>>, %arg5: memref<10000x64xf32, #tpu.memory_space<vmem>>) attributes {dimension_semantics = [], scalar_prefetch = 0 : i64, scratch_operands = 0 : i64, tpu.core_type = #tpu.core_type<tc>} {
    %get3A = arith.constant 0 : index
    %get3A_0 = arith.constant 0 : index
    %get3A_1 = vector.load %arg0[%get3A, %get3A_0] : memref<10000x128xf32, #tpu.memory_space<vmem>>, vector<10000x128xf32>
    %get3A_2 = arith.constant 0 : index
    %get3A_3 = arith.constant 0 : index
    %get3A_4 = vector.load %arg1[%get3A_2, %get3A_3] : memref<128x64xf32, #tpu.memory_space<vmem>>, vector<128x64xf32>
    %dot_general3A = arith.constant dense<0.000000e+00> : vector<10000x64xf32>
    %dot_general3A_5 = tpu.matmul %get3A_1, %get3A_4, %dot_general3A {dimension_numbers = #tpu.dot_dimension_numbers<[1], [0], [0], [1], [0, 0, 1, 1], [], []>, precision = #tpu.contract_precision<fp32>, transpose_lhs_hint = false} : vector<10000x128xf32>, vector<128x64xf32>, vector<10000x64xf32> -> vector<10000x64xf32>
    %slice3A = vector.extract_strided_slice %dot_general3A_5 {offsets = [0, 0], sizes = [10000, 32], strides = [1, 1]} : vector<10000x64xf32> to vector<10000x32xf32>
    %swap3A = arith.constant 0 : index
    %swap3A_6 = arith.constant 0 : index
    %swap3A_7 = arith.constant 0 : index
    %swap3A_8 = vector.load %arg4[%swap3A, %swap3A_6, %swap3A_7] : memref<2x10000x32xf32, #tpu.memory_space<vmem>>, vector<1x10000x32xf32>
    %swap3A_9 = vector.shape_cast %swap3A_8 : vector<1x10000x32xf32> to vector<10000x32xf32>
    %swap3A_10 = vector.shape_cast %slice3A : vector<10000x32xf32> to vector<1x10000x32xf32>
    tpu.vector_store %arg4[%swap3A, %swap3A_6, %swap3A_7], %swap3A_10 {strides = array<i32>} : memref<2x10000x32xf32, #tpu.memory_space<vmem>>, vector<1x10000x32xf32>,
    %slice3A_11 = vector.extract_strided_slice %dot_general3A_5 {offsets = [0, 32], sizes = [10000, 32], strides = [1, 1]} : vector<10000x64xf32> to vector<10000x32xf32>
    %swap3A_12 = arith.constant 1 : index
    %swap3A_13 = arith.constant 0 : index
    %swap3A_14 = arith.constant 0 : index
    %swap3A_15 = vector.load %arg4[%swap3A_12, %swap3A_13, %swap3A_14] : memref<2x10000x32xf32, #tpu.memory_space<vmem>>, vector<1x10000x32xf32>
    %swap3A_16 = vector.shape_cast %swap3A_15 : vector<1x10000x32xf32> to vector<10000x32xf32>
    %swap3A_17 = vector.shape_cast %slice3A_11 : vector<10000x32xf32> to vector<1x10000x32xf32>
    tpu.vector_store %arg4[%swap3A_12, %swap3A_13, %swap3A_14], %swap3A_17 {strides = array<i32>} : memref<2x10000x32xf32, #tpu.memory_space<vmem>>, vector<1x10000x32xf32>,
    %get3A_18 = arith.constant 0 : index
    %get3A_19 = arith.constant 0 : index
    %get3A_20 = vector.load %arg2[%get3A_18, %get3A_19] : memref<128x64xf32, #tpu.memory_space<vmem>>, vector<128x64xf32>
    %dot_general3A_21 = arith.constant dense<0.000000e+00> : vector<10000x64xf32>
    %dot_general3A_22 = tpu.matmul %get3A_1, %get3A_20, %dot_general3A_21 {dimension_numbers = #tpu.dot_dimension_numbers<[1], [0], [0], [1], [0, 0, 1, 1], [], []>, precision = #tpu.contract_precision<fp32>, transpose_lhs_hint = false} : vector<10000x128xf32>, vector<128x64xf32>, vector<10000x64xf32> -> vector<10000x64xf32>
    %get3A_23 = arith.constant 0 : index
    %get3A_24 = arith.constant 0 : index
    %get3A_25 = vector.load %arg3[%get3A_23, %get3A_24] : memref<1x64xf32, #tpu.memory_space<vmem>>, vector<1x64xf32>
    %add3A = vector.broadcast %get3A_25 : vector<1x64xf32> to vector<10000x64xf32>
    %add3A_26 = arith.addf %dot_general3A_22, %add3A : vector<10000x64xf32>
    %swap3A_27 = arith.constant 0 : index
    %swap3A_28 = arith.constant 0 : index
    %swap3A_29 = vector.load %arg5[%swap3A_27, %swap3A_28] : memref<10000x64xf32, #tpu.memory_space<vmem>>, vector<10000x64xf32>
    tpu.vector_store %arg5[%swap3A_27, %swap3A_28], %add3A_26 {strides = array<i32>} : memref<10000x64xf32, #tpu.memory_space<vmem>>, vector<10000x64xf32>,
    return
  }
}

module attributes {stable_mosaic.version = 14 : i64} {
  func.func @_mid_body(%arg0: i32, %arg1: memref<2x2000x32xf32, #tpu.memory_space<vmem>>, %arg2: memref<2x2000x16xf32, #tpu.memory_space<vmem>>, %arg3: memref<2000x64xf32, #tpu.memory_space<vmem>>, %arg4: memref<64x64xf32, #tpu.memory_space<vmem>>, %arg5: memref<64x64xf32, #tpu.memory_space<vmem>>, %arg6: memref<1x64xf32, #tpu.memory_space<vmem>>, %arg7: memref<2x2000x32xf32, #tpu.memory_space<vmem>>, %arg8: memref<2000x64xf32, #tpu.memory_space<vmem>>) attributes {dimension_semantics = [#tpu.dimension_semantics<arbitrary>], iteration_bounds = array<i64: 5>, scalar_prefetch = 0 : i64, scratch_operands = 0 : i64, tpu.core_type = #tpu.core_type<tc>, window_params = [{transform_indices = @transform_0, window_bounds = array<i64: 2, 2000, 32>}, {transform_indices = @transform_1, window_bounds = array<i64: 2, 2000, 16>}, {transform_indices = @transform_2, window_bounds = array<i64: 2000, 64>}, {pipeline_mode = #tpu.pipeline_mode<synchronous>, transform_indices = @transform_3, window_bounds = array<i64: 64, 64>}, {pipeline_mode = #tpu.pipeline_mode<synchronous>, transform_indices = @transform_4, window_bounds = array<i64: 64, 64>}, {pipeline_mode = #tpu.pipeline_mode<synchronous>, transform_indices = @transform_5, window_bounds = array<i64: 1, 64>}, {transform_indices = @transform_6, window_bounds = array<i64: 2, 2000, 32>}, {transform_indices = @transform_7, window_bounds = array<i64: 2000, 64>}]} {
    %get3A = arith.constant 0 : index
    %get3A_0 = arith.constant 0 : index
    %get3A_1 = arith.constant 0 : index
    %get3A_2 = vector.load %arg1[%get3A, %get3A_0, %get3A_1] : memref<2x2000x32xf32, #tpu.memory_space<vmem>>, vector<1x2000x32xf32>
    %get3A_3 = vector.shape_cast %get3A_2 : vector<1x2000x32xf32> to vector<2000x32xf32>
    %get3A_4 = arith.constant 1 : index
    %get3A_5 = arith.constant 0 : index
    %get3A_6 = arith.constant 0 : index
    %get3A_7 = vector.load %arg1[%get3A_4, %get3A_5, %get3A_6] : memref<2x2000x32xf32, #tpu.memory_space<vmem>>, vector<1x2000x32xf32>
    %get3A_8 = vector.shape_cast %get3A_7 : vector<1x2000x32xf32> to vector<2000x32xf32>
    %concatenate3A = tpu.concatenate %get3A_3, %get3A_8 in 1 : vector<2000x32xf32>, vector<2000x32xf32> -> vector<2000x64xf32>
    %get3A_9 = arith.constant 0 : index
    %get3A_10 = arith.constant 0 : index
    %get3A_11 = arith.constant 0 : index
    %get3A_12 = vector.load %arg2[%get3A_9, %get3A_10, %get3A_11] : memref<2x2000x16xf32, #tpu.memory_space<vmem>>, vector<1x2000x1xf32>
    %get3A_13 = vector.shape_cast %get3A_12 : vector<1x2000x1xf32> to vector<2000x1xf32>
    %get3A_14 = arith.constant 1 : index
    %get3A_15 = arith.constant 0 : index
    %get3A_16 = arith.constant 0 : index
    %get3A_17 = vector.load %arg2[%get3A_14, %get3A_15, %get3A_16] : memref<2x2000x16xf32, #tpu.memory_space<vmem>>, vector<1x2000x1xf32>
    %get3A_18 = vector.shape_cast %get3A_17 : vector<1x2000x1xf32> to vector<2000x1xf32>
    %add3A = arith.addf %get3A_13, %get3A_18 : vector<2000x1xf32>
    %max3A = arith.constant 1.000000e+00 : f32
    %max3A_19 = vector.broadcast %max3A : f32 to vector<2000x1xf32>
    %max3A_20 = arith.maximumf %add3A, %max3A_19 : vector<2000x1xf32>
    %div3A = vector.broadcast %max3A_20 : vector<2000x1xf32> to vector<2000x64xf32>
    %div3A_21 = arith.divf %concatenate3A, %div3A : vector<2000x64xf32>
    %get3A_22 = arith.constant 0 : index
    %get3A_23 = arith.constant 0 : index
    %get3A_24 = vector.load %arg3[%get3A_22, %get3A_23] : memref<2000x64xf32, #tpu.memory_space<vmem>>, vector<2000x64xf32>
    %add3A_25 = arith.addf %div3A_21, %get3A_24 : vector<2000x64xf32>
    %max3A_26 = arith.constant 0.000000e+00 : f32
    %max3A_27 = vector.broadcast %max3A_26 : f32 to vector<2000x64xf32>
    %max3A_28 = arith.maximumf %add3A_25, %max3A_27 : vector<2000x64xf32>
    %get3A_29 = arith.constant 0 : index
    %get3A_30 = arith.constant 0 : index
    %get3A_31 = vector.load %arg4[%get3A_29, %get3A_30] : memref<64x64xf32, #tpu.memory_space<vmem>>, vector<64x64xf32>
    %dot_general3A = arith.constant dense<0.000000e+00> : vector<2000x64xf32>
    %dot_general3A_32 = tpu.matmul %max3A_28, %get3A_31, %dot_general3A {dimension_numbers = #tpu.dot_dimension_numbers<[1], [0], [0], [1], [0, 0, 1, 1], [], []>, precision = #tpu.contract_precision<fp32>, transpose_lhs_hint = false} : vector<2000x64xf32>, vector<64x64xf32>, vector<2000x64xf32> -> vector<2000x64xf32>
    %slice3A = vector.extract_strided_slice %dot_general3A_32 {offsets = [0, 0], sizes = [2000, 32], strides = [1, 1]} : vector<2000x64xf32> to vector<2000x32xf32>
    %swap3A = arith.constant 0 : index
    %swap3A_33 = arith.constant 0 : index
    %swap3A_34 = arith.constant 0 : index
    %swap3A_35 = vector.load %arg7[%swap3A, %swap3A_33, %swap3A_34] : memref<2x2000x32xf32, #tpu.memory_space<vmem>>, vector<1x2000x32xf32>
    %swap3A_36 = vector.shape_cast %swap3A_35 : vector<1x2000x32xf32> to vector<2000x32xf32>
    %swap3A_37 = vector.shape_cast %slice3A : vector<2000x32xf32> to vector<1x2000x32xf32>
    tpu.vector_store %arg7[%swap3A, %swap3A_33, %swap3A_34], %swap3A_37 {strides = array<i32>} : memref<2x2000x32xf32, #tpu.memory_space<vmem>>, vector<1x2000x32xf32>,
    %slice3A_38 = vector.extract_strided_slice %dot_general3A_32 {offsets = [0, 32], sizes = [2000, 32], strides = [1, 1]} : vector<2000x64xf32> to vector<2000x32xf32>
    %swap3A_39 = arith.constant 1 : index
    %swap3A_40 = arith.constant 0 : index
    %swap3A_41 = arith.constant 0 : index
    %swap3A_42 = vector.load %arg7[%swap3A_39, %swap3A_40, %swap3A_41] : memref<2x2000x32xf32, #tpu.memory_space<vmem>>, vector<1x2000x32xf32>
    %swap3A_43 = vector.shape_cast %swap3A_42 : vector<1x2000x32xf32> to vector<2000x32xf32>
    %swap3A_44 = vector.shape_cast %slice3A_38 : vector<2000x32xf32> to vector<1x2000x32xf32>
    tpu.vector_store %arg7[%swap3A_39, %swap3A_40, %swap3A_41], %swap3A_44 {strides = array<i32>} : memref<2x2000x32xf32, #tpu.memory_space<vmem>>, vector<1x2000x32xf32>,
    %get3A_45 = arith.constant 0 : index
    %get3A_46 = arith.constant 0 : index
    %get3A_47 = vector.load %arg5[%get3A_45, %get3A_46] : memref<64x64xf32, #tpu.memory_space<vmem>>, vector<64x64xf32>
    %dot_general3A_48 = arith.constant dense<0.000000e+00> : vector<2000x64xf32>
    %dot_general3A_49 = tpu.matmul %max3A_28, %get3A_47, %dot_general3A_48 {dimension_numbers = #tpu.dot_dimension_numbers<[1], [0], [0], [1], [0, 0, 1, 1], [], []>, precision = #tpu.contract_precision<fp32>, transpose_lhs_hint = false} : vector<2000x64xf32>, vector<64x64xf32>, vector<2000x64xf32> -> vector<2000x64xf32>
    %get3A_50 = arith.constant 0 : index
    %get3A_51 = arith.constant 0 : index
    %get3A_52 = vector.load %arg6[%get3A_50, %get3A_51] : memref<1x64xf32, #tpu.memory_space<vmem>>, vector<1x64xf32>
    %add3A_53 = vector.broadcast %get3A_52 : vector<1x64xf32> to vector<2000x64xf32>
    %add3A_54 = arith.addf %dot_general3A_49, %add3A_53 : vector<2000x64xf32>
    %swap3A_55 = arith.constant 0 : index
    %swap3A_56 = arith.constant 0 : index
    %swap3A_57 = vector.load %arg8[%swap3A_55, %swap3A_56] : memref<2000x64xf32, #tpu.memory_space<vmem>>, vector<2000x64xf32>
    tpu.vector_store %arg8[%swap3A_55, %swap3A_56], %add3A_54 {strides = array<i32>} : memref<2000x64xf32, #tpu.memory_space<vmem>>, vector<2000x64xf32>,
    return
  }
  func.func @transform_0(%arg0: i32) -> (i32, i32, i32) {
    %c0_i32 = arith.constant 0 : i32
    %c0_i32_0 = arith.constant 0 : i32
    %c0_i32_1 = arith.constant 0 : i32
    return %c0_i32, %arg0, %c0_i32_0 : i32, i32, i32
  }
  func.func @transform_1(%arg0: i32) -> (i32, i32, i32) {
    %c0_i32 = arith.constant 0 : i32
    %c0_i32_0 = arith.constant 0 : i32
    %c0_i32_1 = arith.constant 0 : i32
    return %c0_i32, %arg0, %c0_i32_0 : i32, i32, i32
  }
  func.func @transform_2(%arg0: i32) -> (i32, i32) {
    %c0_i32 = arith.constant 0 : i32
    %c0_i32_0 = arith.constant 0 : i32
    return %arg0, %c0_i32 : i32, i32
  }
  func.func @transform_3(%arg0: i32) -> (i32, i32) {
    %c0_i32 = arith.constant 0 : i32
    %c0_i32_0 = arith.constant 0 : i32
    %c0_i32_1 = arith.constant 0 : i32
    return %c0_i32, %c0_i32_0 : i32, i32
  }
  func.func @transform_4(%arg0: i32) -> (i32, i32) {
    %c0_i32 = arith.constant 0 : i32
    %c0_i32_0 = arith.constant 0 : i32
    %c0_i32_1 = arith.constant 0 : i32
    return %c0_i32, %c0_i32_0 : i32, i32
  }
  func.func @transform_5(%arg0: i32) -> (i32, i32) {
    %c0_i32 = arith.constant 0 : i32
    %c0_i32_0 = arith.constant 0 : i32
    %c0_i32_1 = arith.constant 0 : i32
    return %c0_i32, %c0_i32_0 : i32, i32
  }
  func.func @transform_6(%arg0: i32) -> (i32, i32, i32) {
    %c0_i32 = arith.constant 0 : i32
    %c0_i32_0 = arith.constant 0 : i32
    %c0_i32_1 = arith.constant 0 : i32
    return %c0_i32, %arg0, %c0_i32_0 : i32, i32, i32
  }
  func.func @transform_7(%arg0: i32) -> (i32, i32) {
    %c0_i32 = arith.constant 0 : i32
    %c0_i32_0 = arith.constant 0 : i32
    return %arg0, %c0_i32 : i32, i32
  }
}

module attributes {stable_mosaic.version = 14 : i64} {
  func.func @_fin_body(%arg0: i32, %arg1: memref<2x2000x32xf32, #tpu.memory_space<vmem>>, %arg2: memref<2x2000x16xf32, #tpu.memory_space<vmem>>, %arg3: memref<2000x64xf32, #tpu.memory_space<vmem>>, %arg4: memref<64x1xf32, #tpu.memory_space<vmem>>, %arg5: memref<1x1xf32, #tpu.memory_space<vmem>>, %arg6: memref<2000x1xf32, #tpu.memory_space<vmem>>) attributes {dimension_semantics = [#tpu.dimension_semantics<arbitrary>], iteration_bounds = array<i64: 5>, scalar_prefetch = 0 : i64, scratch_operands = 0 : i64, tpu.core_type = #tpu.core_type<tc>, window_params = [{transform_indices = @transform_0, window_bounds = array<i64: 2, 2000, 32>}, {transform_indices = @transform_1, window_bounds = array<i64: 2, 2000, 16>}, {transform_indices = @transform_2, window_bounds = array<i64: 2000, 64>}, {pipeline_mode = #tpu.pipeline_mode<synchronous>, transform_indices = @transform_3, window_bounds = array<i64: 64, 1>}, {pipeline_mode = #tpu.pipeline_mode<synchronous>, transform_indices = @transform_4, window_bounds = array<i64: 1, 1>}, {transform_indices = @transform_5, window_bounds = array<i64: 2000, 1>}]} {
    %get3A = arith.constant 0 : index
    %get3A_0 = arith.constant 0 : index
    %get3A_1 = arith.constant 0 : index
    %get3A_2 = vector.load %arg1[%get3A, %get3A_0, %get3A_1] : memref<2x2000x32xf32, #tpu.memory_space<vmem>>, vector<1x2000x32xf32>
    %get3A_3 = vector.shape_cast %get3A_2 : vector<1x2000x32xf32> to vector<2000x32xf32>
    %get3A_4 = arith.constant 1 : index
    %get3A_5 = arith.constant 0 : index
    %get3A_6 = arith.constant 0 : index
    %get3A_7 = vector.load %arg1[%get3A_4, %get3A_5, %get3A_6] : memref<2x2000x32xf32, #tpu.memory_space<vmem>>, vector<1x2000x32xf32>
    %get3A_8 = vector.shape_cast %get3A_7 : vector<1x2000x32xf32> to vector<2000x32xf32>
    %concatenate3A = tpu.concatenate %get3A_3, %get3A_8 in 1 : vector<2000x32xf32>, vector<2000x32xf32> -> vector<2000x64xf32>
    %get3A_9 = arith.constant 0 : index
    %get3A_10 = arith.constant 0 : index
    %get3A_11 = arith.constant 0 : index
    %get3A_12 = vector.load %arg2[%get3A_9, %get3A_10, %get3A_11] : memref<2x2000x16xf32, #tpu.memory_space<vmem>>, vector<1x2000x1xf32>
    %get3A_13 = vector.shape_cast %get3A_12 : vector<1x2000x1xf32> to vector<2000x1xf32>
    %get3A_14 = arith.constant 1 : index
    %get3A_15 = arith.constant 0 : index
    %get3A_16 = arith.constant 0 : index
    %get3A_17 = vector.load %arg2[%get3A_14, %get3A_15, %get3A_16] : memref<2x2000x16xf32, #tpu.memory_space<vmem>>, vector<1x2000x1xf32>
    %get3A_18 = vector.shape_cast %get3A_17 : vector<1x2000x1xf32> to vector<2000x1xf32>
    %add3A = arith.addf %get3A_13, %get3A_18 : vector<2000x1xf32>
    %max3A = arith.constant 1.000000e+00 : f32
    %max3A_19 = vector.broadcast %max3A : f32 to vector<2000x1xf32>
    %max3A_20 = arith.maximumf %add3A, %max3A_19 : vector<2000x1xf32>
    %div3A = vector.broadcast %max3A_20 : vector<2000x1xf32> to vector<2000x64xf32>
    %div3A_21 = arith.divf %concatenate3A, %div3A : vector<2000x64xf32>
    %get3A_22 = arith.constant 0 : index
    %get3A_23 = arith.constant 0 : index
    %get3A_24 = vector.load %arg3[%get3A_22, %get3A_23] : memref<2000x64xf32, #tpu.memory_space<vmem>>, vector<2000x64xf32>
    %add3A_25 = arith.addf %div3A_21, %get3A_24 : vector<2000x64xf32>
    %max3A_26 = arith.constant 0.000000e+00 : f32
    %max3A_27 = vector.broadcast %max3A_26 : f32 to vector<2000x64xf32>
    %max3A_28 = arith.maximumf %add3A_25, %max3A_27 : vector<2000x64xf32>
    %get3A_29 = arith.constant 0 : index
    %get3A_30 = arith.constant 0 : index
    %get3A_31 = vector.load %arg4[%get3A_29, %get3A_30] : memref<64x1xf32, #tpu.memory_space<vmem>>, vector<64x1xf32>
    %dot_general3A = arith.constant dense<0.000000e+00> : vector<2000x1xf32>
    %dot_general3A_32 = tpu.matmul %max3A_28, %get3A_31, %dot_general3A {dimension_numbers = #tpu.dot_dimension_numbers<[1], [0], [0], [1], [0, 0, 1, 1], [], []>, precision = #tpu.contract_precision<fp32>, transpose_lhs_hint = false} : vector<2000x64xf32>, vector<64x1xf32>, vector<2000x1xf32> -> vector<2000x1xf32>
    %get3A_33 = arith.constant 0 : index
    %get3A_34 = arith.constant 0 : index
    %get3A_35 = vector.load %arg5[%get3A_33, %get3A_34] : memref<1x1xf32, #tpu.memory_space<vmem>>, vector<1x1xf32>
    %add3A_36 = vector.broadcast %get3A_35 : vector<1x1xf32> to vector<2000x1xf32>
    %add3A_37 = arith.addf %dot_general3A_32, %add3A_36 : vector<2000x1xf32>
    %swap3A = arith.constant 0 : index
    %swap3A_38 = arith.constant 0 : index
    %swap3A_39 = vector.load %arg6[%swap3A, %swap3A_38] : memref<2000x1xf32, #tpu.memory_space<vmem>>, vector<2000x1xf32>
    tpu.vector_store %arg6[%swap3A, %swap3A_38], %add3A_37 {strides = array<i32>} : memref<2000x1xf32, #tpu.memory_space<vmem>>, vector<2000x1xf32>,
    return
  }
  func.func @transform_0(%arg0: i32) -> (i32, i32, i32) {
    %c0_i32 = arith.constant 0 : i32
    %c0_i32_0 = arith.constant 0 : i32
    %c0_i32_1 = arith.constant 0 : i32
    return %c0_i32, %arg0, %c0_i32_0 : i32, i32, i32
  }
  func.func @transform_1(%arg0: i32) -> (i32, i32, i32) {
    %c0_i32 = arith.constant 0 : i32
    %c0_i32_0 = arith.constant 0 : i32
    %c0_i32_1 = arith.constant 0 : i32
    return %c0_i32, %arg0, %c0_i32_0 : i32, i32, i32
  }
  func.func @transform_2(%arg0: i32) -> (i32, i32) {
    %c0_i32 = arith.constant 0 : i32
    %c0_i32_0 = arith.constant 0 : i32
    return %arg0, %c0_i32 : i32, i32
  }
  func.func @transform_3(%arg0: i32) -> (i32, i32) {
    %c0_i32 = arith.constant 0 : i32
    %c0_i32_0 = arith.constant 0 : i32
    %c0_i32_1 = arith.constant 0 : i32
    return %c0_i32, %c0_i32_0 : i32, i32
  }
  func.func @transform_4(%arg0: i32) -> (i32, i32) {
    %c0_i32 = arith.constant 0 : i32
    %c0_i32_0 = arith.constant 0 : i32
    %c0_i32_1 = arith.constant 0 : i32
    return %c0_i32, %c0_i32_0 : i32, i32
  }
  func.func @transform_5(%arg0: i32) -> (i32, i32) {
    %c0_i32 = arith.constant 0 : i32
    %c0_i32_0 = arith.constant 0 : i32
    return %arg0, %c0_i32 : i32, i32
  }
}

</mosaic_0001>

<sc_bundles>
// kernel: kernel.11.cloned.1.call-start
scs
__scs_entry_jumppad:
0x0: {  	(pc) =	sbr.rel $0x88, $3  }
0x1: {  	(tag) =	ssettag $0x0;
	lr =	simm.s32 $0x1  }
0x2: {  	[smem:$0x3F97] =	sst lr;
	_ =	strace $0xD0000000  }
0x3: {  	_ = 	snop  }
0x4: {  	_ = 	snop  }
0x5: {  	_ = 	snop  }
0x6: {  	_ = 	snop  }
0x7: {  	_ = 	snop  }
__scs_overlays_trampoline_lowered:
0x8: {  	[smem:$0x3FA6] =	sst s0  }
0x9: {  	[smem:$0x3FA7] =	sst s1  }
0xa: {  	[smem:$0x3FA8] =	sst s2  }
0xb: {  	[smem:$0x3FA9] =	sst s3  }
0xc: {  	[smem:$0x3FAA] =	sst s4  }
0xd: {  	[smem:$0x3FAB] =	sst s5  }
0xe: {  	[smem:$0x3FAC] =	sst s6  }
0xf: {  	[smem:$0x3FAD] =	sst s7  }
0x10: {  	[smem:$0x3FAE] =	sst s8  }
0x11: {  	[smem:$0x3FAF] =	sst s9;
	s0 =	simm.s32 @!p0 $0x0  }
0x12: {  	s1 =	sld [smem:$0x3F95];
	s0 =	simm.s32 @p0 $0x1  }
0x13: {  	[smem:$0x3FB0] =	sst s0;
	s0 =	simm.s32 @!p1 $0x0  }
0x14: {  	s2 =	sld [smem:$0x3F94];
	s0 =	simm.s32 @p1 $0x1  }
0x15: {  	[smem:$0x3FB1] =	sst s0;
	s0 =	simm.s32 @!p2 $0x0  }
0x16: {  	s3 =	sld [smem:$0x3FDB];
	s0 =	simm.s32 @p2 $0x1  }
0x17: {  	s4 =	simm.s32 $0x1BF5;
	[smem:$0x3FB3] =	sst s0  }
0x18: {  	s0 =	sld [smem:$0x3F96];
	_ =	swait.ge [sflag:s4], $0x0  }
0x19: {  	s7 =	sld [smem:$0x3F97]  }
0x1a: {  	s8 =	sadd.s32 $0xFFFFE003, lr  }
0x1b: {  	s9 =	sadd.s32 $0xFFFFFEF7, lr;
	s5 =	simm.s32 $0xFFFFFFFF;
	p2 =	slt.u32 s8, $0xFFFFF086  }
0x1c: {  	p1 =	slt.u32 s9, $0xF7A;
	s5 =	simm.s32 @!p2 $0x0  }
0x1d: {  	s5 =	simm.s32 @p1 $0x1;
	p0 =	seq.s32 s7, s2  }
0x1e: {  	s7 =	smul.u32 @!p0 $0xF7A, s2;
	p2 =	seq.s32 @!p0 s5, $0x0  }
0x1f: {  	s9 =	smul.u32 $0xF7A, s1;
	s8 =	simm.s32 @!p0 $0x1BF5;
	p2 =	por !p2, p0  }
0x20: {  	[sflag:s8] =	ssyncset.s32 @!p0 $0xFFFFF086;
	s6 =	sadd.s32 @!p0 s3, s7;
	s7 =	simm.s32 @!p0 $0x108  }
0x21: {  	s3 =	sadd.s32 s3, s9;
	s6 =	sadd.s32 @!p0 $0x88, s6;
	s7 =	simm.s32 @p2 $0x1082  }
0x22: {  	[simem:s7], [sflag:s8] =	dma.local @!p0 [hbm:s6], $0xF7A  }
0x23: {  	s9 =	sor.u32 $0xD0000000, s2;
	s6 =	simm.s32 $0x108;
	_ =	swait.ge @!p0 [sflag:s8], $0x0  }
0x24: {  	s3 =	sadd.s32 $0x88, s3;
	s6 =	simm.s32 @!p1 $0x1082;
	[sflag:s4] =	ssyncset.s32 $0xFFFFF086  }
0x25: {  	[simem:s6], [sflag:s4] =	dma.local [hbm:s3], $0xF7A  }
0x26: {  	[smem:$0x3F97] =	sst s1;
	(tag) =	ssettag s2;
	_ =	strace s9  }
0x27: {  	s1 =	sld [smem:$0x3FA7]  }
0x28: {  	s2 =	sld [smem:$0x3FA8]  }
0x29: {  	s4 =	sld [smem:$0x3FAA]  }
0x2a: {  	p0 =	seq.s32 s5, $0x0;
	s5 =	sld [smem:$0x3FAB]  }
0x2b: {  	s6 =	sld [smem:$0x3FAC]  }
0x2c: {  	s7 =	sld [smem:$0x3FAD]  }
0x2d: {  	s3 =	simm.s32 $0x108;
	s8 =	sld [smem:$0x3FAE]  }
0x2e: {  	s3 =	simm.s32 @!p0 $0x1082;
	s9 =	sld [smem:$0x3FAF]  }
0x2f: {  	lr =	sadd.s32 s0, s3;
	s0 =	sld [smem:$0x3FA6]  }
0x30: {  	s3 =	sld [smem:$0x3FA9]  }
0x31: {  	[smem:$0x3FB2] =	sst s10  }
0x32: {  	s10 =	sld [smem:$0x3FB0];
	_ =	sdelay $0x3  }
0x33: {  	p0 =	seq.s32 s10, $0x1;
	s10 =	sld [smem:$0x3FB2];
	_ =	sdelay $0x3  }
0x34: {  	[smem:$0x3FB2] =	sst s10  }
0x35: {  	s10 =	sld [smem:$0x3FB1];
	_ =	sdelay $0x3  }
0x36: {  	p1 =	seq.s32 s10, $0x1;
	s10 =	sld [smem:$0x3FB2];
	_ =	sdelay $0x3  }
0x37: {  	[smem:$0x3FB2] =	sst s10  }
0x38: {  	s10 =	sld [smem:$0x3FB3]  }
0x39: {  	_ = 	snop;
	(pc) =	sbr.ind lr, $3  }
0x3a: {  	_ = 	snop  }
0x3b: {  	_ = 	snop  }
0x3c: {  	p2 =	seq.s32 s10, $0x1;
	s10 =	sld [smem:$0x3FB2]  }
0x3d: {  	_ =	shalt  }
0x3e: {  	_ =	shalt  }
0x3f: {  	_ =	shalt  }
0x40: {  	_ =	shalt  }
0x41: {  	_ =	shalt  }
0x42: {  	_ =	shalt  }
0x43: {  	_ =	shalt  }
0x44: {  	_ =	shalt  }
0x45: {  	_ =	shalt  }
0x46: {  	_ =	shalt  }
0x47: {  	_ =	shalt  }
0x48: {  	_ =	shalt  }
0x49: {  	_ =	shalt  }
0x4a: {  	_ =	shalt  }
0x4b: {  	_ =	shalt  }
0x4c: {  	_ =	shalt  }
0x4d: {  	_ =	shalt  }
0x4e: {  	_ =	shalt  }
0x4f: {  	_ =	shalt  }
0x50: {  	_ =	shalt  }
0x51: {  	_ =	shalt  }
0x52: {  	_ =	shalt  }
0x53: {  	_ =	shalt  }
0x54: {  	_ =	shalt  }
0x55: {  	_ =	shalt  }
0x56: {  	_ =	shalt  }
0x57: {  	_ =	shalt  }
0x58: {  	_ =	shalt  }
0x59: {  	_ =	shalt  }
0x5a: {  	_ =	shalt  }
0x5b: {  	_ =	shalt  }
0x5c: {  	_ =	shalt  }
0x5d: {  	_ =	shalt  }
0x5e: {  	_ =	shalt  }
0x5f: {  	_ =	shalt  }
0x60: {  	_ =	shalt  }
0x61: {  	_ =	shalt  }
0x62: {  	_ =	shalt  }
0x63: {  	_ =	shalt  }
0x64: {  	_ =	shalt  }
0x65: {  	_ =	shalt  }
0x66: {  	_ =	shalt  }
0x67: {  	_ =	shalt  }
0x68: {  	_ =	shalt  }
0x69: {  	_ =	shalt  }
0x6a: {  	_ =	shalt  }
0x6b: {  	_ =	shalt  }
0x6c: {  	_ =	shalt  }
0x6d: {  	_ =	shalt  }
0x6e: {  	_ =	shalt  }
0x6f: {  	_ =	shalt  }
0x70: {  	_ =	shalt  }
0x71: {  	_ =	shalt  }
0x72: {  	_ =	shalt  }
0x73: {  	_ =	shalt  }
0x74: {  	_ =	shalt  }
0x75: {  	_ =	shalt  }
0x76: {  	_ =	shalt  }
0x77: {  	_ =	shalt  }
0x78: {  	_ =	shalt  }
0x79: {  	_ =	shalt  }
0x7a: {  	_ =	shalt  }
0x7b: {  	_ =	shalt  }
0x7c: {  	_ =	shalt  }
0x7d: {  	_ =	shalt  }
0x7e: {  	_ =	shalt  }
0x7f: {  	_ =	shalt  }
0x80: {  	_ =	shalt  }
0x81: {  	_ =	shalt  }
0x82: {  	_ =	shalt  }
0x83: {  	_ =	shalt  }
0x84: {  	_ =	shalt  }
0x85: {  	_ =	shalt  }
0x86: {  	_ =	shalt  }
0x87: {  	_ =	shalt  }
.Lfunc_end0:
.L_simem_size_0:
called_computation.1_lowered:
.L_overlay_start_0:
0x88: {  	s2 =	sld [smem:$0x3FD9]  }
0x89: {  	s3 =	sld [smem:$0x3FFE];
	_ =	sdelay $0x1  }
0x8a: {  	s1 =	srdreg.scid  }
0x8b: {  	s0 =	sand.u32 $0x1, s1  }
0x8c: {  	s16 =	sshll.u32 s0, $0xA;
	s2 =	sadd.s32 s3, s2  }
0x8d: {  	s2 =	sadd.s32 s2, s16  }
0x8e: {  	[smem:$0x3FBE] =	sst s2  }
0x8f: {  	_ = 	snop  }
0x90: {  	(tm) =	ssettm $0x1  }
0x91: {  	s17 =	sld [smem:$0x3FFB];
	_ =	sdelay $0x3  }
0x92: {  	_ =	strace s17  }
0x93: {  	s2 =	sld [smem:$0x3FFC];
	_ =	sdelay $0x3  }
0x94: {  	_ =	strace s2  }
0x95: {  	s2 =	sld [smem:$0x3FFD];
	_ =	sdelay $0x3  }
0x96: {  	_ =	strace s2  }
0x97: {  	_ =	strace $0x8FFFFFFF  }
0x98: {  	s18 =	sld [smem:$0x3FDB];
	_ =	sdelay $0x1  }
0x99: {  	s19 =	simm.s32 $_scs_section_size  }
0x9a: {  	s4 =	simm.s32 $_size__tile_overlayer_lowered;
	s5 =	simm.s32 $_tile_overlayer_lowered  }
0x9b: {  	s22 =	simm.s32 $0x1BFF;
	s21 =	sshll.u32 s5, $0x1;
	s2 =	sadd.s32 s19, s18  }
0x9c: {  	s6 =	simm.s32 $0x0;
	s20 =	sshll.u32 s4, $0x1;
	s4 =	sadd.s32 s21, s2  }
0x9d: {  	[timem:s6], [sflag:s22] =	dma.local [hbm:s4], s20  }
0x9e: {  	_ =	swait.ge [sflag:s22], s20  }
0x9f: {  	s3 =	ssub.s32 $0x0, s20;
	[sflag:s22] =	ssyncset.done $0x0  }
0xa0: {  	[sflag:s22] =	ssyncadd.s32 s3;
	_ =	sdelay $0x1  }
0xa1: {  	s23 =	simm.s32 $0x1B8B  }
0xa2: {  	_ =	swait.ge [sflag:s23], $0x1  }
0xa3: {  	[sflag:s23] =	ssyncset.done $0x0  }
0xa4: {  	s25 =	simm.s32 $0x1B8E;
	s24 =	sld [smem:$0x3FFE];
	[sflag:s23] =	ssyncadd.s32 $0xFFFFFFFF  }
0xa5: {  	s26 =	simm.s32 $execute0_lowered;
	[smem:$0x3FD2] =	sst s25  }
0xa6: {  	s4 =	sshll.u32 s26, $0x1;
	_ =	strace $0x80000046;
	[dreg:$0x1] =	wrdreg $0xFFFFFFFF  }
0xa7: {  	s28 =	simm.s32 $_size_execute0_lowered;
	s2 =	sadd.s32 s2, s4;
	[dreg:$0x0] =	wrdreg $0x0  }
0xa8: {  	s4 =	sshll.u32 s28, $0x1;
	[dreg:$0x2] =	wrdreg s2  }
0xa9: {  	[dreg:$0x3] =	wrdreg s4  }
0xaa: {  	[dreg:$0x4] =	wrdreg $0xC0  }
0xab: {  	_ =	task [dreg:s6], $0x5FFFF  }
0xac: {  	[dreg:$0x1] =	wrdreg $0xFFFFFFFF  }
0xad: {  	[dreg:$0x0] =	wrdreg $0x60  }
0xae: {  	[dreg:$0x2] =	wrdreg s24  }
0xaf: {  	[dreg:$0x3] =	wrdreg $0x0  }
0xb0: {  	[dreg:$0x4] =	wrdreg $0x50000  }
0xb1: {  	[dreg:$0x5] =	wrdreg $0xA  }
0xb2: {  	_ =	task.clear_ibuf [dreg:s6], $0x6FFFF;
	_ =	strace $0x90000046  }
0xb3: {  	s29 =	simm.s32 $0xA;
	_ =	strace $0x80000048  }
0xb4: {  	_ =	swait.ge [sflag:s29], $0x1  }
0xb5: {  	[sflag:s29] =	ssyncadd.s32 $0xFFFFFFFF  }
0xb6: {  	_ =	strace $0x90000048  }
0xb7: {  	_ =	sfence  }
0xb8: {  	s30 =	sld [smem:$0x0];
	_ =	sdelay $0x2  }
0xb9: {  	s31 =	sshll.u32 s1, $0xD;
	s1 =	sshrl.u32 s1, $0x2  }
0xba: {  	s3 =	sand.u32 $0x4000, s31;
	s1 =	sadd.s32 s1, s30  }
0xbb: {  	s0 =	sor.u32 s3, s0;
	s1 =	sshll.u32 s1, $0x11  }
0xbc: {  	s0 =	sor.u32 s1, s0  }
0xbd: {  	s0 =	sadd.s32 $0x8F2B, s0  }
0xbe: {  	[sflag:s0] =	ssyncadd.remote.s32 $0x1  }
0xbf: {  	_ =	sfence.sel $0xFFFF  }
0xc0: {  	[dreg:$0x0] =	wrdreg $0xFFFFFFFF;
	(pc) =	sbr.abs _section_cstart, $3  }
0xc1: {  	[dreg:$0x1] =	wrdreg $0xFFFFFFFF  }
0xc2: {  	_ =	task.clear_ibuf [dreg:s6], $0x2FFFF;
	_ =	strace $0x9FFFFFFF  }
0xc3: {  	(tm) =	ssettm $0x7FFFFFFF  }
tec
execute0_lowered:
.L_overlay_start_1:
0x0: {  	(tag) =	ssettag $0x1  }
0x1: {  	s0 =	srdreg.scid;
	s1 =	rddreg [dreg:$0x0]  }
0x2: {  	s10 =	stileid.u32;
	s2 =	rddreg [dreg:$0x1]  }
0x3: {  	s3 =	rddreg [dreg:$0x2];
	s8 =	simm.s32 $0x0;
	s13 =	simm.s32 $0x11  }
0x4: {  	s17 =	simm.s32 $0x7D;
	s28 =	simm.s32 $0x1;
	s5 =	smul.u32 $0x4E20, s10  }
0x5: {  	s31 =	simm.s32 $0x2;
	s29 =	simm.s32 $0x4;
	s6 =	smul.u32 $0xA00, s10  }
0x6: {  	s30 =	simm.s32 $0xF;
	s0 =	sand.u32 $0x1, s0;
	s7 =	smul.u32 $0x5000, s10  }
0x7: {  	[smem:$0x7FF] =	sst s8;
	s23 =	sshll.u32 s10, $0x6;
	s4 =	smul.u32 $0x4E200, s0  }
0x8: {  	s19 =	smul.u32 $0x50000, s0;
	_ =	strace $0x80000047;
	s0 =	ssub.s32 $0x2, s0  }
0x9: {  	s9 =	sadd.s32 s6, s1;
	s21 =	sshrl.u32 s7, $0x3;
	s22 =	sshrl.u32 s0, $0x1  }
0xa: {  	s4 =	sadd.s32 s5, s4;
	s20 =	sadd.s32 s7, s19;
	s8 =	sadd.s32 s21, s1  }
0xb: {  	s0 =	ssub.s32 s0, s22;
	s7 =	sadd.s32 s7, s2;
	s5 =	sadd.s32 s5, s3  }
0xc: {  	s24 =	sadd.s32 $0xB800, s9;
	s25 =	sadd.s32 $0x1800, s9;
	s21 =	simm.s32 $0x3  }
0xd: {  	s19 =	simm.s32 $0xB;
	s4 =	sshrl.u32 s4, $0x3;
	[dreg:$0x6] =	wrdreg s24  }
0xe: {  	s6 =	sshrl.u32 s20, $0x3;
	s8 =	sadd.s32 $0x29200, s8;
	[dreg:$0x7] =	wrdreg s25  }
0xf: {  	s0 =	smax.u32 s0, $0x1;
	s12 =	sshrl.u32 s7, $0x3;
	s26 =	sshrl.u32 s5, $0x3  }
0x10: {  	s24 =	simm.s32 $0x16D00;
	s25 =	simm.s32 $0xD;
	[dreg:$0x4] =	wrdreg s8  }
0x11: {  	s5 =	simm.s32 $0x0;
	s4 =	sadd.s32 s4, s1;
	[dreg:$0x9] =	wrdreg s0  }
0x12: {  	s1 =	sadd.s32 s6, s1;
	s6 =	sor.u32 $0x1C11, s23;
	[dreg:$0xa] =	wrdreg s26  }
0x13: {  	s0 =	simm.s32 $0xA;
	s23 =	simm.s32 $0xC;
	s4 =	sadd.s32 $0x15800, s4  }
0x14: {  	s26 =	simm.s32 $0xE;
	s1 =	sadd.s32 $0x33200, s1;
	[dreg:$0x5] =	wrdreg s4  }
0x15: {  	[dreg:$0x8] =	wrdreg s1;
	s1 =	simm.s32 $0x9;
	s4 =	simm.s32 $0x10  }
.LBB2_1:
0x16: {  	s7 =	rddreg [dreg:$0x4]  }
0x17: {  	[spmem:s12], [sflag:s6] =	dma.local [hbm:s7], $0xA00  }
0x18: {  	_ =	swait.ge [sflag:s13], $0xA00  }
0x19: {  	[sflag:s13] =	ssyncset.done $0x0;
	s15 =	rddreg [dreg:$0x5]  }
0x1a: {  	s8 =	rddreg [dreg:$0xa];
	[sflag:s13] =	ssyncadd.s32 $0xFFFFF600  }
0x1b: {  	[spmem:s8], [sflag:s6] =	dma.local [hbm:s15], $0x9C4  }
0x1c: {  	_ =	swait.ge [sflag:s13], $0x9C4  }
0x1d: {  	s16 =	simm.s32 $0x0;
	[sflag:s13] =	ssyncset.done $0x0  }
0x1e: {  	s9 =	simm.s32 $0x9E20;
	s18 =	rddreg [dreg:$0x6];
	[sflag:s13] =	ssyncadd.s32 $0xFFFFF63C  }
0x1f: {  	[tilespmem:s9], [sflag:$0x11] =	stream.linear.gather [hbm4b:s18+s16], $0x5000, $0x38;
	[tilespmem:$0x1BB20] =	vst v63  }
0x20: {  	_ =	swait.ge [sflag:s13], $0x5000  }
0x21: {  	[sflag:s13] =	ssyncset.done $0x0  }
0x22: {  	s10 =	simm.s32 $0xEE20;
	s20 =	rddreg [dreg:$0x7];
	[sflag:s13] =	ssyncadd.s32 $0xFFFFB000  }
0x23: {  	[tilespmem:s10], [sflag:$0x11] =	stream.linear.gather [hbm4b:s20+s16], $0x5000, $0x38;
	[tilespmem:$0x1BB20] =	vst v63  }
0x24: {  	_ =	swait.ge [sflag:s13], $0x5000  }
0x25: {  	[sflag:s13] =	ssyncset.done $0x0  }
0x26: {  	[sflag:s13] =	ssyncadd.s32 $0xFFFFB000  }
0x27: {  	s22 =	simm.s32 $0x13E20;
	[bflag:$0x0] =	sbarrier.arrive $0xFFFF  }
0x28: {  	[tilespmem:s22], [sflag:$0x1] =	stream.indirect.gather [spmem:s3], $0x20, s9, s17, $0xb8;
	[tilespmem:$0x1BB20] =	vst v63  }
0x29: {  	s11 =	simm.s32 $0x9EA0;
	s9 =	simm.s32 $0x14DC0  }
0x2a: {  	[tilespmem:s9], [sflag:$0x2] =	stream.indirect.gather [spmem:s3], $0x20, s11, s17, $0xb8;
	[tilespmem:$0x1BB20] =	vst v63  }
0x2b: {  	s14 =	simm.s32 $0x9F20;
	s11 =	simm.s32 $0x15D60  }
0x2c: {  	[tilespmem:s11], [sflag:$0x3] =	stream.indirect.gather [spmem:s3], $0x20, s14, s17, $0xb8;
	[tilespmem:$0x1BB20] =	vst v63  }
0x2d: {  	s15 =	simm.s32 $0x9FA0  }
0x2e: {  	[tilespmem:s24], [sflag:$0x4] =	stream.indirect.gather [spmem:s3], $0x20, s15, s17, $0xb8;
	[tilespmem:$0x1BB20] =	vst v63  }
0x2f: {  	s16 =	simm.s32 $0xA020;
	s14 =	simm.s32 $0x17CA0  }
0x30: {  	[tilespmem:s14], [sflag:$0x5] =	stream.indirect.gather [spmem:s3], $0x20, s16, s17, $0xb8;
	[tilespmem:$0x1BB20] =	vst v63  }
0x31: {  	_ =	swait.ge [sflag:s28], $0xFA0  }
0x32: {  	[sflag:s28] =	ssyncset.done $0x0  }
0x33: {  	[sflag:s28] =	ssyncadd.s32 $0xFFFFF060  }
0x34: {  	[spmem:s2] =	stream.indirect.scatter.add.f32 [tilespmem:s22], [sflag:$0x9], $0x20, s10, s17, $0xb8;
	[tilespmem:$0x1BB20] =	vst v63  }
0x35: {  	s18 =	simm.s32 $0xA0A0;
	s20 =	simm.s32 $0x18C40  }
0x36: {  	[tilespmem:s20], [sflag:$0x6] =	stream.indirect.gather [spmem:s3], $0x20, s18, s17, $0xb8;
	[tilespmem:$0x1BB20] =	vst v63  }
0x37: {  	_ =	swait.ge [sflag:s31], $0xFA0  }
0x38: {  	[sflag:s31] =	ssyncset.done $0x0  }
0x39: {  	s22 =	simm.s32 $0xEEA0;
	[sflag:s31] =	ssyncadd.s32 $0xFFFFF060  }
0x3a: {  	[spmem:s2] =	stream.indirect.scatter.add.f32 [tilespmem:s9], [sflag:$0xA], $0x20, s22, s17, $0xb8;
	[tilespmem:$0x1BB20] =	vst v63  }
0x3b: {  	s8 =	simm.s32 $0xA120;
	s9 =	simm.s32 $0x19BE0  }
0x3c: {  	[tilespmem:s9], [sflag:$0x7] =	stream.indirect.gather [spmem:s3], $0x20, s8, s17, $0xb8;
	[tilespmem:$0x1BB20] =	vst v63  }
0x3d: {  	_ =	swait.ge [sflag:s21], $0xFA0  }
0x3e: {  	p0 =	por $0x0, $0x0;
	s7 =	simm.s32 $0x8;
	[sflag:s21] =	ssyncset.done $0x0  }
0x3f: {  	s7 =	sand.u32 @!p0 $0x7, s7;
	s10 =	simm.s32 $0xEF20;
	[sflag:s21] =	ssyncadd.s32 $0xFFFFF060  }
0x40: {  	[spmem:s2] =	stream.indirect.scatter.add.f32 [tilespmem:s11], [sflag:$0xB], $0x20, s10, s17, $0xb8;
	[tilespmem:$0x1BB20] =	vst v63  }
0x41: {  	s15 =	simm.s32 $0x1AB80;
	s14 =	simm.s32 $0xA1A0;
	s16 =	simm.s32 $0xEFA0  }
0x42: {  	[tilespmem:s15], [sflag:$0x8] =	stream.indirect.gather [spmem:s3], $0x20, s14, s17, $0xb8;
	[tilespmem:$0x1BB20] =	vst v63  }
0x43: {  	s18 =	simm.s32 $0x4;
	s8 =	simm.s32 $0xA220;
	_ =	swait.ge [sflag:s29], $0xFA0  }
0x44: {  	s10 =	sadd.s32 @!p0 $0x9, s7;
	s11 =	smul.u32 @!p0 $0x3E80, s7;
	[sflag:s29] =	ssyncset.done $0x0  }
0x45: {  	s7 =	sadd.s32 @!p0 $0x1, s7;
	s15 =	sand.u32 $0x7, s18;
	[sflag:s29] =	ssyncadd.s32 $0xFFFFF060  }
0x46: {  	[spmem:s2] =	stream.indirect.scatter.add.f32 [tilespmem:s24], [sflag:$0xC], $0x20, s16, s17, $0xb8;
	[tilespmem:$0x1BB20] =	vst v63  }
0x47: {  	s11 =	sshrl.u32 @!p0 s11, $0x2;
	s9 =	sadd.s32 $0x1, s15;
	_ =	swait.ge @!p0 [sflag:s10], $0xFA0  }
0x48: {  	s11 =	sadd.s32 @!p0 $0x13E20, s11;
	s20 =	smul.u32 $0x3E80, s15;
	[sflag:s10] =	ssyncset.done @!p0 $0x0  }
0x49: {  	s15 =	sadd.s32 $0x9, s15;
	[sflag:s10] =	ssyncadd.s32 @!p0 $0xFFFFF060;
	s10 =	simm.s32 @!p0 $0x7D  }
0x4a: {  	[tilespmem:s11], [sflag:s7] =	stream.indirect.gather @!p0 [spmem:s3], $0x20, s8, s10, $0xb8;
	[tilespmem:$0x1BB20] =	vst v63  }
0x4b: {  	s22 =	sshrl.u32 s20, $0x2;
	s10 =	simm.s32 $0xF020;
	_ =	swait.ge [sflag:s9], $0xFA0  }
0x4c: {  	s7 =	simm.s32 $0x9;
	s8 =	simm.s32 $0xF0A0;
	[sflag:s9] =	ssyncset.done $0x0  }
0x4d: {  	s11 =	sadd.s32 $0x13E20, s22;
	[sflag:s9] =	ssyncadd.s32 $0xFFFFF060;
	s9 =	simm.s32 $0xA2A0  }
.LBB2_2:
0x4e: {  	[spmem:s2] =	stream.indirect.scatter.add.f32 [tilespmem:s11], [sflag:s15], $0x20, s10, s17, $0xb8;
	[tilespmem:$0x1BB20] =	vst v63  }
0x4f: {  	s10 =	sadd.s32 $0xFFFFFFFC, s7;
	s11 =	smov.u32 s7;
	s7 =	sadd.s32 $0x1, s7  }
0x50: {  	p1 =	sgt.u32 s10, $0x9B;
	s15 =	sand.u32 $0x7, s10;
	p0 =	sne.s32 s7, $0xA4  }
0x51: {  	s10 =	smov.u32 s8;
	s11 =	sand.u32 @!p1 $0x7, s11;
	s16 =	smul.u32 $0x3E80, s15  }
0x52: {  	s14 =	sadd.s32 @!p1 $0x9, s11;
	s18 =	smul.u32 @!p1 $0x3E80, s11;
	s11 =	sadd.s32 @!p1 $0x1, s11  }
0x53: {  	s20 =	sadd.s32 $0x1, s15;
	s16 =	sshrl.u32 s16, $0x2;
	_ =	swait.ge @!p1 [sflag:s14], $0xFA0  }
0x54: {  	s22 =	simm.s32 @!p1 $0x7D;
	s18 =	sshrl.u32 @!p1 s18, $0x2;
	[sflag:s14] =	ssyncset.done @!p1 $0x0  }
.Ltmp0:
0x55: {  	[sflag:s14] =	ssyncadd.s32 @!p1 $0xFFFFF060;
	s14 =	sadd.s32 @!p1 $0x13E20, s18;
	(pc) =	sbr.rel @p0 .LBB2_2-.Ltmp0, $4  }
0x56: {  	[tilespmem:s14], [sflag:s11] =	stream.indirect.gather @!p1 [spmem:s3], $0x20, s9, s22, $0xb8;
	[tilespmem:$0x1BB20] =	vst v63  }
0x57: {  	_ =	swait.ge [sflag:s20], $0xFA0  }
0x58: {  	s8 =	sadd.s32 $0x80, s8;
	s9 =	sadd.s32 $0x80, s9;
	[sflag:s20] =	ssyncset.done $0x0  }
0x59: {  	s15 =	sadd.s32 $0x9, s15;
	s11 =	sadd.s32 $0x13E20, s16;
	[sflag:s20] =	ssyncadd.s32 $0xFFFFF060  }
0x5a: {  	[spmem:s2] =	stream.indirect.scatter.add.f32 [tilespmem:s11], [sflag:s15], $0x20, s10, s17, $0xb8;
	[tilespmem:$0x1BB20] =	vst v63  }
0x5b: {  	_ =	swait.ge [sflag:s1], $0xFA0  }
0x5c: {  	[sflag:s1] =	ssyncset.done $0x0  }
0x5d: {  	[sflag:s1] =	ssyncadd.s32 $0xFFFFF060  }
0x5e: {  	_ =	swait.ge [sflag:s0], $0xFA0  }
0x5f: {  	[sflag:s0] =	ssyncset.done $0x0  }
0x60: {  	[sflag:s0] =	ssyncadd.s32 $0xFFFFF060  }
0x61: {  	_ =	swait.ge [sflag:s19], $0xFA0  }
0x62: {  	[sflag:s19] =	ssyncset.done $0x0  }
0x63: {  	[sflag:s19] =	ssyncadd.s32 $0xFFFFF060  }
0x64: {  	_ =	swait.ge [sflag:s23], $0xFA0  }
0x65: {  	[sflag:s23] =	ssyncset.done $0x0  }
0x66: {  	[sflag:s23] =	ssyncadd.s32 $0xFFFFF060  }
0x67: {  	_ =	swait.ge [sflag:s25], $0xFA0  }
0x68: {  	[sflag:s25] =	ssyncset.done $0x0  }
0x69: {  	[sflag:s25] =	ssyncadd.s32 $0xFFFFF060  }
0x6a: {  	_ =	swait.ge [sflag:s26], $0xFA0  }
0x6b: {  	[sflag:s26] =	ssyncset.done $0x0  }
0x6c: {  	[sflag:s26] =	ssyncadd.s32 $0xFFFFF060  }
0x6d: {  	_ =	swait.ge [sflag:s30], $0xFA0  }
0x6e: {  	[sflag:s30] =	ssyncset.done $0x0  }
0x6f: {  	[sflag:s30] =	ssyncadd.s32 $0xFFFFF060  }
0x70: {  	_ =	swait.ge [sflag:s4], $0xFA0  }
0x71: {  	[sflag:s4] =	ssyncset.done $0x0  }
0x72: {  	[sflag:s4] =	ssyncadd.s32 $0xFFFFF060  }
0x73: {  	[bflag:$0x0] =	sbarrier.arrive $0xFFFF  }
0x74: {  	s7 =	rddreg [dreg:$0x8]  }
0x75: {  	[hbm:s7], [sflag:s6] =	dma.local [spmem:s12], $0xA00  }
0x76: {  	_ =	swait.ge [sflag:s13], $0xA00  }
0x77: {  	s5 =	sadd.s32 $0x1, s5;
	s22 =	rddreg [dreg:$0x9]  }
0x78: {  	p0 =	sne.s32 s5, s22  }
.Ltmp1:
0x79: {  	_ = 	snop;
	(pc) =	sbr.rel @p0 .LBB2_1-.Ltmp1, $3  }
0x7a: {  	_ =	sdelay $0x1  }
0x7b: {  	[sflag:s13] =	ssyncset.done $0x0  }
0x7c: {  	[sflag:s13] =	ssyncadd.s32 $0xFFFFF600  }
0x7d: {  	_ =	sfence.sel $0x180000  }
0x7e: {  	[bflag:$0x0] =	sbarrier.arrive $0xFFFF  }
0x7f: {  	_ =	strace $0x90000047  }
0x80: {  	s0 =	stileid.u32;
	[bflag:$0x2] =	sbarrier.arrive $0xFFFF  }
0x81: {  	p0 =	sne.s32 s0, $0x0;
	s0 =	rddreg [dreg:$0x3]  }
0x82: {  	s0 =	sadd.s32 @!p0 $0x100000, s0  }
0x83: {  	[sflag:s0] =	ssyncadd.tile.s32 @!p0 $0x1;
	_ =	shalt  }
.Lfunc_end2:
_tile_overlayer_lowered:
.L_overlay_start_2:
0x84: {  	(tag) =	ssettag $0x2  }
0x85: {  	s0 =	rddreg [dreg:$0x0];
	s2 =	stileid.u32  }
0x86: {  	s1 =	rddreg [dreg:$0x1];
	p0 =	sne.s32 s2, $0x0  }
0x87: {  	s3 =	rddreg [dreg:$0x2];
	[bflag:$0x3] =	sbarrier.arrive $0xFFFF;
	s2 =	simm.s32 @!p0 $0x1C11  }
0x88: {  	[timem:s3], [sflag:s2] =	dma.local @!p0 [hbm:s0], s1  }
0x89: {  	s0 =	simm.s32 @!p0 $0x11  }
0x8a: {  	_ =	swait.ge @!p0 [sflag:s0], s1  }
0x8b: {  	s1 =	ssub.s32 @!p0 $0x0, s1;
	[sflag:s0] =	ssyncset.done @!p0 $0x0  }
0x8c: {  	[sflag:s0] =	ssyncadd.s32 @!p0 s1  }
0x8d: {  	[bflag:$0x3] =	sbarrier.arrive $0xFFFF  }
0x8e: {  	_ =	shalt  }

// kernel: kernel.14.cloned.1.call-start
scs
__scs_entry_jumppad:
0x0: {  	(pc) =	sbr.rel $0x88, $3  }
0x1: {  	(tag) =	ssettag $0x0;
	lr =	simm.s32 $0x1  }
0x2: {  	[smem:$0x3F97] =	sst lr;
	_ =	strace $0xD0000000  }
0x3: {  	_ = 	snop  }
0x4: {  	_ = 	snop  }
0x5: {  	_ = 	snop  }
0x6: {  	_ = 	snop  }
0x7: {  	_ = 	snop  }
__scs_overlays_trampoline_lowered:
0x8: {  	[smem:$0x3FA6] =	sst s0  }
0x9: {  	[smem:$0x3FA7] =	sst s1  }
0xa: {  	[smem:$0x3FA8] =	sst s2  }
0xb: {  	[smem:$0x3FA9] =	sst s3  }
0xc: {  	[smem:$0x3FAA] =	sst s4  }
0xd: {  	[smem:$0x3FAB] =	sst s5  }
0xe: {  	[smem:$0x3FAC] =	sst s6  }
0xf: {  	[smem:$0x3FAD] =	sst s7  }
0x10: {  	[smem:$0x3FAE] =	sst s8  }
0x11: {  	[smem:$0x3FAF] =	sst s9;
	s0 =	simm.s32 @!p0 $0x0  }
0x12: {  	s1 =	sld [smem:$0x3F95];
	s0 =	simm.s32 @p0 $0x1  }
0x13: {  	[smem:$0x3FB0] =	sst s0;
	s0 =	simm.s32 @!p1 $0x0  }
0x14: {  	s2 =	sld [smem:$0x3F94];
	s0 =	simm.s32 @p1 $0x1  }
0x15: {  	[smem:$0x3FB1] =	sst s0;
	s0 =	simm.s32 @!p2 $0x0  }
0x16: {  	s3 =	sld [smem:$0x3FDB];
	s0 =	simm.s32 @p2 $0x1  }
0x17: {  	s4 =	simm.s32 $0x1BF5;
	[smem:$0x3FB3] =	sst s0  }
0x18: {  	s0 =	sld [smem:$0x3F96];
	_ =	swait.ge [sflag:s4], $0x0  }
0x19: {  	s7 =	sld [smem:$0x3F97]  }
0x1a: {  	s8 =	sadd.s32 $0xFFFFE003, lr  }
0x1b: {  	s9 =	sadd.s32 $0xFFFFFEF7, lr;
	s5 =	simm.s32 $0xFFFFFFFF;
	p2 =	slt.u32 s8, $0xFFFFF086  }
0x1c: {  	p1 =	slt.u32 s9, $0xF7A;
	s5 =	simm.s32 @!p2 $0x0  }
0x1d: {  	s5 =	simm.s32 @p1 $0x1;
	p0 =	seq.s32 s7, s2  }
0x1e: {  	s7 =	smul.u32 @!p0 $0xF7A, s2;
	p2 =	seq.s32 @!p0 s5, $0x0  }
0x1f: {  	s9 =	smul.u32 $0xF7A, s1;
	s8 =	simm.s32 @!p0 $0x1BF5;
	p2 =	por !p2, p0  }
0x20: {  	[sflag:s8] =	ssyncset.s32 @!p0 $0xFFFFF086;
	s6 =	sadd.s32 @!p0 s3, s7;
	s7 =	simm.s32 @!p0 $0x108  }
0x21: {  	s3 =	sadd.s32 s3, s9;
	s6 =	sadd.s32 @!p0 $0x88, s6;
	s7 =	simm.s32 @p2 $0x1082  }
0x22: {  	[simem:s7], [sflag:s8] =	dma.local @!p0 [hbm:s6], $0xF7A  }
0x23: {  	s9 =	sor.u32 $0xD0000000, s2;
	s6 =	simm.s32 $0x108;
	_ =	swait.ge @!p0 [sflag:s8], $0x0  }
0x24: {  	s3 =	sadd.s32 $0x88, s3;
	s6 =	simm.s32 @!p1 $0x1082;
	[sflag:s4] =	ssyncset.s32 $0xFFFFF086  }
0x25: {  	[simem:s6], [sflag:s4] =	dma.local [hbm:s3], $0xF7A  }
0x26: {  	[smem:$0x3F97] =	sst s1;
	(tag) =	ssettag s2;
	_ =	strace s9  }
0x27: {  	s1 =	sld [smem:$0x3FA7]  }
0x28: {  	s2 =	sld [smem:$0x3FA8]  }
0x29: {  	s4 =	sld [smem:$0x3FAA]  }
0x2a: {  	p0 =	seq.s32 s5, $0x0;
	s5 =	sld [smem:$0x3FAB]  }
0x2b: {  	s6 =	sld [smem:$0x3FAC]  }
0x2c: {  	s7 =	sld [smem:$0x3FAD]  }
0x2d: {  	s3 =	simm.s32 $0x108;
	s8 =	sld [smem:$0x3FAE]  }
0x2e: {  	s3 =	simm.s32 @!p0 $0x1082;
	s9 =	sld [smem:$0x3FAF]  }
0x2f: {  	lr =	sadd.s32 s0, s3;
	s0 =	sld [smem:$0x3FA6]  }
0x30: {  	s3 =	sld [smem:$0x3FA9]  }
0x31: {  	[smem:$0x3FB2] =	sst s10  }
0x32: {  	s10 =	sld [smem:$0x3FB0];
	_ =	sdelay $0x3  }
0x33: {  	p0 =	seq.s32 s10, $0x1;
	s10 =	sld [smem:$0x3FB2];
	_ =	sdelay $0x3  }
0x34: {  	[smem:$0x3FB2] =	sst s10  }
0x35: {  	s10 =	sld [smem:$0x3FB1];
	_ =	sdelay $0x3  }
0x36: {  	p1 =	seq.s32 s10, $0x1;
	s10 =	sld [smem:$0x3FB2];
	_ =	sdelay $0x3  }
0x37: {  	[smem:$0x3FB2] =	sst s10  }
0x38: {  	s10 =	sld [smem:$0x3FB3]  }
0x39: {  	_ = 	snop;
	(pc) =	sbr.ind lr, $3  }
0x3a: {  	_ = 	snop  }
0x3b: {  	_ = 	snop  }
0x3c: {  	p2 =	seq.s32 s10, $0x1;
	s10 =	sld [smem:$0x3FB2]  }
0x3d: {  	_ =	shalt  }
0x3e: {  	_ =	shalt  }
0x3f: {  	_ =	shalt  }
0x40: {  	_ =	shalt  }
0x41: {  	_ =	shalt  }
0x42: {  	_ =	shalt  }
0x43: {  	_ =	shalt  }
0x44: {  	_ =	shalt  }
0x45: {  	_ =	shalt  }
0x46: {  	_ =	shalt  }
0x47: {  	_ =	shalt  }
0x48: {  	_ =	shalt  }
0x49: {  	_ =	shalt  }
0x4a: {  	_ =	shalt  }
0x4b: {  	_ =	shalt  }
0x4c: {  	_ =	shalt  }
0x4d: {  	_ =	shalt  }
0x4e: {  	_ =	shalt  }
0x4f: {  	_ =	shalt  }
0x50: {  	_ =	shalt  }
0x51: {  	_ =	shalt  }
0x52: {  	_ =	shalt  }
0x53: {  	_ =	shalt  }
0x54: {  	_ =	shalt  }
0x55: {  	_ =	shalt  }
0x56: {  	_ =	shalt  }
0x57: {  	_ =	shalt  }
0x58: {  	_ =	shalt  }
0x59: {  	_ =	shalt  }
0x5a: {  	_ =	shalt  }
0x5b: {  	_ =	shalt  }
0x5c: {  	_ =	shalt  }
0x5d: {  	_ =	shalt  }
0x5e: {  	_ =	shalt  }
0x5f: {  	_ =	shalt  }
0x60: {  	_ =	shalt  }
0x61: {  	_ =	shalt  }
0x62: {  	_ =	shalt  }
0x63: {  	_ =	shalt  }
0x64: {  	_ =	shalt  }
0x65: {  	_ =	shalt  }
0x66: {  	_ =	shalt  }
0x67: {  	_ =	shalt  }
0x68: {  	_ =	shalt  }
0x69: {  	_ =	shalt  }
0x6a: {  	_ =	shalt  }
0x6b: {  	_ =	shalt  }
0x6c: {  	_ =	shalt  }
0x6d: {  	_ =	shalt  }
0x6e: {  	_ =	shalt  }
0x6f: {  	_ =	shalt  }
0x70: {  	_ =	shalt  }
0x71: {  	_ =	shalt  }
0x72: {  	_ =	shalt  }
0x73: {  	_ =	shalt  }
0x74: {  	_ =	shalt  }
0x75: {  	_ =	shalt  }
0x76: {  	_ =	shalt  }
0x77: {  	_ =	shalt  }
0x78: {  	_ =	shalt  }
0x79: {  	_ =	shalt  }
0x7a: {  	_ =	shalt  }
0x7b: {  	_ =	shalt  }
0x7c: {  	_ =	shalt  }
0x7d: {  	_ =	shalt  }
0x7e: {  	_ =	shalt  }
0x7f: {  	_ =	shalt  }
0x80: {  	_ =	shalt  }
0x81: {  	_ =	shalt  }
0x82: {  	_ =	shalt  }
0x83: {  	_ =	shalt  }
0x84: {  	_ =	shalt  }
0x85: {  	_ =	shalt  }
0x86: {  	_ =	shalt  }
0x87: {  	_ =	shalt  }
.Lfunc_end0:
.L_simem_size_0:
called_computation.2_lowered:
.L_overlay_start_0:
0x88: {  	s2 =	sld [smem:$0x3FD9]  }
0x89: {  	s3 =	sld [smem:$0x3FFE];
	_ =	sdelay $0x1  }
0x8a: {  	s1 =	srdreg.scid  }
0x8b: {  	s0 =	sand.u32 $0x1, s1  }
0x8c: {  	s16 =	sshll.u32 s0, $0xA;
	s2 =	sadd.s32 s3, s2  }
0x8d: {  	s2 =	sadd.s32 s2, s16  }
0x8e: {  	[smem:$0x3FBE] =	sst s2  }
0x8f: {  	_ = 	snop  }
0x90: {  	(tm) =	ssettm $0x1  }
0x91: {  	s17 =	sld [smem:$0x3FFB];
	_ =	sdelay $0x3  }
0x92: {  	_ =	strace s17  }
0x93: {  	s2 =	sld [smem:$0x3FFC];
	_ =	sdelay $0x3  }
0x94: {  	_ =	strace s2  }
0x95: {  	s2 =	sld [smem:$0x3FFD];
	_ =	sdelay $0x3  }
0x96: {  	_ =	strace s2  }
0x97: {  	_ =	strace $0x8FFFFFFF  }
0x98: {  	s18 =	sld [smem:$0x3FDB];
	_ =	sdelay $0x1  }
0x99: {  	s19 =	simm.s32 $_scs_section_size  }
0x9a: {  	s4 =	simm.s32 $_size__tile_overlayer_lowered;
	s5 =	simm.s32 $_tile_overlayer_lowered  }
0x9b: {  	s22 =	simm.s32 $0x1BFF;
	s21 =	sshll.u32 s5, $0x1;
	s2 =	sadd.s32 s19, s18  }
0x9c: {  	s6 =	simm.s32 $0x0;
	s20 =	sshll.u32 s4, $0x1;
	s4 =	sadd.s32 s21, s2  }
0x9d: {  	[timem:s6], [sflag:s22] =	dma.local [hbm:s4], s20  }
0x9e: {  	_ =	swait.ge [sflag:s22], s20  }
0x9f: {  	s3 =	ssub.s32 $0x0, s20;
	[sflag:s22] =	ssyncset.done $0x0  }
0xa0: {  	[sflag:s22] =	ssyncadd.s32 s3;
	_ =	sdelay $0x1  }
0xa1: {  	s23 =	simm.s32 $0x1B8B  }
0xa2: {  	_ =	swait.ge [sflag:s23], $0x1  }
0xa3: {  	[sflag:s23] =	ssyncset.done $0x0  }
0xa4: {  	s25 =	simm.s32 $0x1B8E;
	s24 =	sld [smem:$0x3FFE];
	[sflag:s23] =	ssyncadd.s32 $0xFFFFFFFF  }
0xa5: {  	s26 =	simm.s32 $execute0_lowered;
	[smem:$0x3FD2] =	sst s25  }
0xa6: {  	s4 =	sshll.u32 s26, $0x1;
	_ =	strace $0x8000004C;
	[dreg:$0x1] =	wrdreg $0xFFFFFFFF  }
0xa7: {  	s28 =	simm.s32 $_size_execute0_lowered;
	s2 =	sadd.s32 s2, s4;
	[dreg:$0x0] =	wrdreg $0x0  }
0xa8: {  	s4 =	sshll.u32 s28, $0x1;
	[dreg:$0x2] =	wrdreg s2  }
0xa9: {  	[dreg:$0x3] =	wrdreg s4  }
0xaa: {  	[dreg:$0x4] =	wrdreg $0xC0  }
0xab: {  	_ =	task [dreg:s6], $0x5FFFF  }
0xac: {  	[dreg:$0x1] =	wrdreg $0xFFFFFFFF  }
0xad: {  	[dreg:$0x0] =	wrdreg $0x60  }
0xae: {  	[dreg:$0x2] =	wrdreg s24  }
0xaf: {  	[dreg:$0x3] =	wrdreg $0x0  }
0xb0: {  	[dreg:$0x4] =	wrdreg $0x50000  }
0xb1: {  	[dreg:$0x5] =	wrdreg $0x9  }
0xb2: {  	_ =	task.clear_ibuf [dreg:s6], $0x6FFFF;
	_ =	strace $0x9000004C  }
0xb3: {  	s29 =	simm.s32 $0x9;
	_ =	strace $0x8000004E  }
0xb4: {  	_ =	swait.ge [sflag:s29], $0x1  }
0xb5: {  	[sflag:s29] =	ssyncadd.s32 $0xFFFFFFFF  }
0xb6: {  	_ =	strace $0x9000004E  }
0xb7: {  	_ =	sfence  }
0xb8: {  	s30 =	sld [smem:$0x0];
	_ =	sdelay $0x2  }
0xb9: {  	s31 =	sshll.u32 s1, $0xD;
	s1 =	sshrl.u32 s1, $0x2  }
0xba: {  	s3 =	sand.u32 $0x4000, s31;
	s1 =	sadd.s32 s1, s30  }
0xbb: {  	s0 =	sor.u32 s3, s0;
	s1 =	sshll.u32 s1, $0x11  }
0xbc: {  	s0 =	sor.u32 s1, s0  }
0xbd: {  	s0 =	sadd.s32 $0x8F2B, s0  }
0xbe: {  	[sflag:s0] =	ssyncadd.remote.s32 $0x1  }
0xbf: {  	_ =	sfence.sel $0xFFFF  }
0xc0: {  	[dreg:$0x0] =	wrdreg $0xFFFFFFFF;
	(pc) =	sbr.abs _section_cstart, $3  }
0xc1: {  	[dreg:$0x1] =	wrdreg $0xFFFFFFFF  }
0xc2: {  	_ =	task.clear_ibuf [dreg:s6], $0x2FFFF;
	_ =	strace $0x9FFFFFFF  }
0xc3: {  	(tm) =	ssettm $0x7FFFFFFF  }
tec
execute0_lowered:
.L_overlay_start_1:
0x0: {  	(tag) =	ssettag $0x1  }
0x1: {  	s0 =	srdreg.scid;
	s1 =	rddreg [dreg:$0x0]  }
0x2: {  	s10 =	stileid.u32;
	s2 =	rddreg [dreg:$0x1]  }
0x3: {  	s3 =	rddreg [dreg:$0x2];
	s8 =	simm.s32 $0x0;
	s13 =	simm.s32 $0x11  }
0x4: {  	s17 =	simm.s32 $0x7D;
	s28 =	simm.s32 $0x1;
	s5 =	smul.u32 $0x4E20, s10  }
0x5: {  	s31 =	simm.s32 $0x2;
	s29 =	simm.s32 $0x4;
	s6 =	smul.u32 $0xA00, s10  }
0x6: {  	s30 =	simm.s32 $0xF;
	s0 =	sand.u32 $0x1, s0;
	s7 =	smul.u32 $0x5000, s10  }
0x7: {  	[smem:$0x7FF] =	sst s8;
	s23 =	sshll.u32 s10, $0x6;
	s4 =	smul.u32 $0x4E200, s0  }
0x8: {  	s19 =	smul.u32 $0x50000, s0;
	_ =	strace $0x8000004D;
	s0 =	ssub.s32 $0x2, s0  }
0x9: {  	s9 =	sadd.s32 s6, s1;
	s21 =	sshrl.u32 s7, $0x3;
	s22 =	sshrl.u32 s0, $0x1  }
0xa: {  	s4 =	sadd.s32 s5, s4;
	s20 =	sadd.s32 s7, s19;
	s8 =	sadd.s32 s21, s1  }
0xb: {  	s0 =	ssub.s32 s0, s22;
	s7 =	sadd.s32 s7, s2;
	s5 =	sadd.s32 s5, s3  }
0xc: {  	s24 =	sadd.s32 $0xB800, s9;
	s25 =	sadd.s32 $0x1800, s9;
	s21 =	simm.s32 $0x3  }
0xd: {  	s19 =	simm.s32 $0xB;
	s4 =	sshrl.u32 s4, $0x3;
	[dreg:$0x6] =	wrdreg s24  }
0xe: {  	s6 =	sshrl.u32 s20, $0x3;
	s8 =	sadd.s32 $0x29200, s8;
	[dreg:$0x7] =	wrdreg s25  }
0xf: {  	s0 =	smax.u32 s0, $0x1;
	s12 =	sshrl.u32 s7, $0x3;
	s26 =	sshrl.u32 s5, $0x3  }
0x10: {  	s24 =	simm.s32 $0x16D00;
	s25 =	simm.s32 $0xD;
	[dreg:$0x4] =	wrdreg s8  }
0x11: {  	s5 =	simm.s32 $0x0;
	s4 =	sadd.s32 s4, s1;
	[dreg:$0x9] =	wrdreg s0  }
0x12: {  	s1 =	sadd.s32 s6, s1;
	s6 =	sor.u32 $0x1C11, s23;
	[dreg:$0xa] =	wrdreg s26  }
0x13: {  	s0 =	simm.s32 $0xA;
	s23 =	simm.s32 $0xC;
	s4 =	sadd.s32 $0x15800, s4  }
0x14: {  	s26 =	simm.s32 $0xE;
	s1 =	sadd.s32 $0x33200, s1;
	[dreg:$0x5] =	wrdreg s4  }
0x15: {  	[dreg:$0x8] =	wrdreg s1;
	s1 =	simm.s32 $0x9;
	s4 =	simm.s32 $0x10  }
.LBB2_1:
0x16: {  	s7 =	rddreg [dreg:$0x4]  }
0x17: {  	[spmem:s12], [sflag:s6] =	dma.local [hbm:s7], $0xA00  }
0x18: {  	_ =	swait.ge [sflag:s13], $0xA00  }
0x19: {  	[sflag:s13] =	ssyncset.done $0x0;
	s15 =	rddreg [dreg:$0x5]  }
0x1a: {  	s8 =	rddreg [dreg:$0xa];
	[sflag:s13] =	ssyncadd.s32 $0xFFFFF600  }
0x1b: {  	[spmem:s8], [sflag:s6] =	dma.local [hbm:s15], $0x9C4  }
0x1c: {  	_ =	swait.ge [sflag:s13], $0x9C4  }
0x1d: {  	s16 =	simm.s32 $0x0;
	[sflag:s13] =	ssyncset.done $0x0  }
0x1e: {  	s9 =	simm.s32 $0x9E20;
	s18 =	rddreg [dreg:$0x6];
	[sflag:s13] =	ssyncadd.s32 $0xFFFFF63C  }
0x1f: {  	[tilespmem:s9], [sflag:$0x11] =	stream.linear.gather [hbm4b:s18+s16], $0x5000, $0x38;
	[tilespmem:$0x1BB20] =	vst v63  }
0x20: {  	_ =	swait.ge [sflag:s13], $0x5000  }
0x21: {  	[sflag:s13] =	ssyncset.done $0x0  }
0x22: {  	s10 =	simm.s32 $0xEE20;
	s20 =	rddreg [dreg:$0x7];
	[sflag:s13] =	ssyncadd.s32 $0xFFFFB000  }
0x23: {  	[tilespmem:s10], [sflag:$0x11] =	stream.linear.gather [hbm4b:s20+s16], $0x5000, $0x38;
	[tilespmem:$0x1BB20] =	vst v63  }
0x24: {  	_ =	swait.ge [sflag:s13], $0x5000  }
0x25: {  	[sflag:s13] =	ssyncset.done $0x0  }
0x26: {  	[sflag:s13] =	ssyncadd.s32 $0xFFFFB000  }
0x27: {  	s22 =	simm.s32 $0x13E20;
	[bflag:$0x0] =	sbarrier.arrive $0xFFFF  }
0x28: {  	[tilespmem:s22], [sflag:$0x1] =	stream.indirect.gather [spmem:s3], $0x20, s9, s17, $0xb8;
	[tilespmem:$0x1BB20] =	vst v63  }
0x29: {  	s11 =	simm.s32 $0x9EA0;
	s9 =	simm.s32 $0x14DC0  }
0x2a: {  	[tilespmem:s9], [sflag:$0x2] =	stream.indirect.gather [spmem:s3], $0x20, s11, s17, $0xb8;
	[tilespmem:$0x1BB20] =	vst v63  }
0x2b: {  	s14 =	simm.s32 $0x9F20;
	s11 =	simm.s32 $0x15D60  }
0x2c: {  	[tilespmem:s11], [sflag:$0x3] =	stream.indirect.gather [spmem:s3], $0x20, s14, s17, $0xb8;
	[tilespmem:$0x1BB20] =	vst v63  }
0x2d: {  	s15 =	simm.s32 $0x9FA0  }
0x2e: {  	[tilespmem:s24], [sflag:$0x4] =	stream.indirect.gather [spmem:s3], $0x20, s15, s17, $0xb8;
	[tilespmem:$0x1BB20] =	vst v63  }
0x2f: {  	s16 =	simm.s32 $0xA020;
	s14 =	simm.s32 $0x17CA0  }
0x30: {  	[tilespmem:s14], [sflag:$0x5] =	stream.indirect.gather [spmem:s3], $0x20, s16, s17, $0xb8;
	[tilespmem:$0x1BB20] =	vst v63  }
0x31: {  	_ =	swait.ge [sflag:s28], $0xFA0  }
0x32: {  	[sflag:s28] =	ssyncset.done $0x0  }
0x33: {  	[sflag:s28] =	ssyncadd.s32 $0xFFFFF060  }
0x34: {  	[spmem:s2] =	stream.indirect.scatter.add.f32 [tilespmem:s22], [sflag:$0x9], $0x20, s10, s17, $0xb8;
	[tilespmem:$0x1BB20] =	vst v63  }
0x35: {  	s18 =	simm.s32 $0xA0A0;
	s20 =	simm.s32 $0x18C40  }
0x36: {  	[tilespmem:s20], [sflag:$0x6] =	stream.indirect.gather [spmem:s3], $0x20, s18, s17, $0xb8;
	[tilespmem:$0x1BB20] =	vst v63  }
0x37: {  	_ =	swait.ge [sflag:s31], $0xFA0  }
0x38: {  	[sflag:s31] =	ssyncset.done $0x0  }
0x39: {  	s22 =	simm.s32 $0xEEA0;
	[sflag:s31] =	ssyncadd.s32 $0xFFFFF060  }
0x3a: {  	[spmem:s2] =	stream.indirect.scatter.add.f32 [tilespmem:s9], [sflag:$0xA], $0x20, s22, s17, $0xb8;
	[tilespmem:$0x1BB20] =	vst v63  }
0x3b: {  	s8 =	simm.s32 $0xA120;
	s9 =	simm.s32 $0x19BE0  }
0x3c: {  	[tilespmem:s9], [sflag:$0x7] =	stream.indirect.gather [spmem:s3], $0x20, s8, s17, $0xb8;
	[tilespmem:$0x1BB20] =	vst v63  }
0x3d: {  	_ =	swait.ge [sflag:s21], $0xFA0  }
0x3e: {  	p0 =	por $0x0, $0x0;
	s7 =	simm.s32 $0x8;
	[sflag:s21] =	ssyncset.done $0x0  }
0x3f: {  	s7 =	sand.u32 @!p0 $0x7, s7;
	s10 =	simm.s32 $0xEF20;
	[sflag:s21] =	ssyncadd.s32 $0xFFFFF060  }
0x40: {  	[spmem:s2] =	stream.indirect.scatter.add.f32 [tilespmem:s11], [sflag:$0xB], $0x20, s10, s17, $0xb8;
	[tilespmem:$0x1BB20] =	vst v63  }
0x41: {  	s15 =	simm.s32 $0x1AB80;
	s14 =	simm.s32 $0xA1A0;
	s16 =	simm.s32 $0xEFA0  }
0x42: {  	[tilespmem:s15], [sflag:$0x8] =	stream.indirect.gather [spmem:s3], $0x20, s14, s17, $0xb8;
	[tilespmem:$0x1BB20] =	vst v63  }
0x43: {  	s18 =	simm.s32 $0x4;
	s8 =	simm.s32 $0xA220;
	_ =	swait.ge [sflag:s29], $0xFA0  }
0x44: {  	s10 =	sadd.s32 @!p0 $0x9, s7;
	s11 =	smul.u32 @!p0 $0x3E80, s7;
	[sflag:s29] =	ssyncset.done $0x0  }
0x45: {  	s7 =	sadd.s32 @!p0 $0x1, s7;
	s15 =	sand.u32 $0x7, s18;
	[sflag:s29] =	ssyncadd.s32 $0xFFFFF060  }
0x46: {  	[spmem:s2] =	stream.indirect.scatter.add.f32 [tilespmem:s24], [sflag:$0xC], $0x20, s16, s17, $0xb8;
	[tilespmem:$0x1BB20] =	vst v63  }
0x47: {  	s11 =	sshrl.u32 @!p0 s11, $0x2;
	s9 =	sadd.s32 $0x1, s15;
	_ =	swait.ge @!p0 [sflag:s10], $0xFA0  }
0x48: {  	s11 =	sadd.s32 @!p0 $0x13E20, s11;
	s20 =	smul.u32 $0x3E80, s15;
	[sflag:s10] =	ssyncset.done @!p0 $0x0  }
0x49: {  	s15 =	sadd.s32 $0x9, s15;
	[sflag:s10] =	ssyncadd.s32 @!p0 $0xFFFFF060;
	s10 =	simm.s32 @!p0 $0x7D  }
0x4a: {  	[tilespmem:s11], [sflag:s7] =	stream.indirect.gather @!p0 [spmem:s3], $0x20, s8, s10, $0xb8;
	[tilespmem:$0x1BB20] =	vst v63  }
0x4b: {  	s22 =	sshrl.u32 s20, $0x2;
	s10 =	simm.s32 $0xF020;
	_ =	swait.ge [sflag:s9], $0xFA0  }
0x4c: {  	s7 =	simm.s32 $0x9;
	s8 =	simm.s32 $0xF0A0;
	[sflag:s9] =	ssyncset.done $0x0  }
0x4d: {  	s11 =	sadd.s32 $0x13E20, s22;
	[sflag:s9] =	ssyncadd.s32 $0xFFFFF060;
	s9 =	simm.s32 $0xA2A0  }
.LBB2_2:
0x4e: {  	[spmem:s2] =	stream.indirect.scatter.add.f32 [tilespmem:s11], [sflag:s15], $0x20, s10, s17, $0xb8;
	[tilespmem:$0x1BB20] =	vst v63  }
0x4f: {  	s10 =	sadd.s32 $0xFFFFFFFC, s7;
	s11 =	smov.u32 s7;
	s7 =	sadd.s32 $0x1, s7  }
0x50: {  	p1 =	sgt.u32 s10, $0x9B;
	s15 =	sand.u32 $0x7, s10;
	p0 =	sne.s32 s7, $0xA4  }
0x51: {  	s10 =	smov.u32 s8;
	s11 =	sand.u32 @!p1 $0x7, s11;
	s16 =	smul.u32 $0x3E80, s15  }
0x52: {  	s14 =	sadd.s32 @!p1 $0x9, s11;
	s18 =	smul.u32 @!p1 $0x3E80, s11;
	s11 =	sadd.s32 @!p1 $0x1, s11  }
0x53: {  	s20 =	sadd.s32 $0x1, s15;
	s16 =	sshrl.u32 s16, $0x2;
	_ =	swait.ge @!p1 [sflag:s14], $0xFA0  }
0x54: {  	s22 =	simm.s32 @!p1 $0x7D;
	s18 =	sshrl.u32 @!p1 s18, $0x2;
	[sflag:s14] =	ssyncset.done @!p1 $0x0  }
.Ltmp0:
0x55: {  	[sflag:s14] =	ssyncadd.s32 @!p1 $0xFFFFF060;
	s14 =	sadd.s32 @!p1 $0x13E20, s18;
	(pc) =	sbr.rel @p0 .LBB2_2-.Ltmp0, $4  }
0x56: {  	[tilespmem:s14], [sflag:s11] =	stream.indirect.gather @!p1 [spmem:s3], $0x20, s9, s22, $0xb8;
	[tilespmem:$0x1BB20] =	vst v63  }
0x57: {  	_ =	swait.ge [sflag:s20], $0xFA0  }
0x58: {  	s8 =	sadd.s32 $0x80, s8;
	s9 =	sadd.s32 $0x80, s9;
	[sflag:s20] =	ssyncset.done $0x0  }
0x59: {  	s15 =	sadd.s32 $0x9, s15;
	s11 =	sadd.s32 $0x13E20, s16;
	[sflag:s20] =	ssyncadd.s32 $0xFFFFF060  }
0x5a: {  	[spmem:s2] =	stream.indirect.scatter.add.f32 [tilespmem:s11], [sflag:s15], $0x20, s10, s17, $0xb8;
	[tilespmem:$0x1BB20] =	vst v63  }
0x5b: {  	_ =	swait.ge [sflag:s1], $0xFA0  }
0x5c: {  	[sflag:s1] =	ssyncset.done $0x0  }
0x5d: {  	[sflag:s1] =	ssyncadd.s32 $0xFFFFF060  }
0x5e: {  	_ =	swait.ge [sflag:s0], $0xFA0  }
0x5f: {  	[sflag:s0] =	ssyncset.done $0x0  }
0x60: {  	[sflag:s0] =	ssyncadd.s32 $0xFFFFF060  }
0x61: {  	_ =	swait.ge [sflag:s19], $0xFA0  }
0x62: {  	[sflag:s19] =	ssyncset.done $0x0  }
0x63: {  	[sflag:s19] =	ssyncadd.s32 $0xFFFFF060  }
0x64: {  	_ =	swait.ge [sflag:s23], $0xFA0  }
0x65: {  	[sflag:s23] =	ssyncset.done $0x0  }
0x66: {  	[sflag:s23] =	ssyncadd.s32 $0xFFFFF060  }
0x67: {  	_ =	swait.ge [sflag:s25], $0xFA0  }
0x68: {  	[sflag:s25] =	ssyncset.done $0x0  }
0x69: {  	[sflag:s25] =	ssyncadd.s32 $0xFFFFF060  }
0x6a: {  	_ =	swait.ge [sflag:s26], $0xFA0  }
0x6b: {  	[sflag:s26] =	ssyncset.done $0x0  }
0x6c: {  	[sflag:s26] =	ssyncadd.s32 $0xFFFFF060  }
0x6d: {  	_ =	swait.ge [sflag:s30], $0xFA0  }
0x6e: {  	[sflag:s30] =	ssyncset.done $0x0  }
0x6f: {  	[sflag:s30] =	ssyncadd.s32 $0xFFFFF060  }
0x70: {  	_ =	swait.ge [sflag:s4], $0xFA0  }
0x71: {  	[sflag:s4] =	ssyncset.done $0x0  }
0x72: {  	[sflag:s4] =	ssyncadd.s32 $0xFFFFF060  }
0x73: {  	[bflag:$0x0] =	sbarrier.arrive $0xFFFF  }
0x74: {  	s7 =	rddreg [dreg:$0x8]  }
0x75: {  	[hbm:s7], [sflag:s6] =	dma.local [spmem:s12], $0xA00  }
0x76: {  	_ =	swait.ge [sflag:s13], $0xA00  }
0x77: {  	s5 =	sadd.s32 $0x1, s5;
	s22 =	rddreg [dreg:$0x9]  }
0x78: {  	p0 =	sne.s32 s5, s22  }
.Ltmp1:
0x79: {  	_ = 	snop;
	(pc) =	sbr.rel @p0 .LBB2_1-.Ltmp1, $3  }
0x7a: {  	_ =	sdelay $0x1  }
0x7b: {  	[sflag:s13] =	ssyncset.done $0x0  }
0x7c: {  	[sflag:s13] =	ssyncadd.s32 $0xFFFFF600  }
0x7d: {  	_ =	sfence.sel $0x180000  }
0x7e: {  	[bflag:$0x0] =	sbarrier.arrive $0xFFFF  }
0x7f: {  	_ =	strace $0x9000004D  }
0x80: {  	s0 =	stileid.u32;
	[bflag:$0x2] =	sbarrier.arrive $0xFFFF  }
0x81: {  	p0 =	sne.s32 s0, $0x0;
	s0 =	rddreg [dreg:$0x3]  }
0x82: {  	s0 =	sadd.s32 @!p0 $0x100000, s0  }
0x83: {  	[sflag:s0] =	ssyncadd.tile.s32 @!p0 $0x1;
	_ =	shalt  }
.Lfunc_end2:
_tile_overlayer_lowered:
.L_overlay_start_2:
0x84: {  	(tag) =	ssettag $0x2  }
0x85: {  	s0 =	rddreg [dreg:$0x0];
	s2 =	stileid.u32  }
0x86: {  	s1 =	rddreg [dreg:$0x1];
	p0 =	sne.s32 s2, $0x0  }
0x87: {  	s3 =	rddreg [dreg:$0x2];
	[bflag:$0x3] =	sbarrier.arrive $0xFFFF;
	s2 =	simm.s32 @!p0 $0x1C11  }
0x88: {  	[timem:s3], [sflag:s2] =	dma.local @!p0 [hbm:s0], s1  }
0x89: {  	s0 =	simm.s32 @!p0 $0x11  }
0x8a: {  	_ =	swait.ge @!p0 [sflag:s0], s1  }
0x8b: {  	s1 =	ssub.s32 @!p0 $0x0, s1;
	[sflag:s0] =	ssyncset.done @!p0 $0x0  }
0x8c: {  	[sflag:s0] =	ssyncadd.s32 @!p0 s1  }
0x8d: {  	[bflag:$0x3] =	sbarrier.arrive $0xFFFF  }
0x8e: {  	_ =	shalt  }

// kernel: kernel.8.cloned.1.call-start
scs
__scs_entry_jumppad:
0x0: {  	(pc) =	sbr.rel $0x88, $3  }
0x1: {  	(tag) =	ssettag $0x0;
	lr =	simm.s32 $0x1  }
0x2: {  	[smem:$0x3F97] =	sst lr;
	_ =	strace $0xD0000000  }
0x3: {  	_ = 	snop  }
0x4: {  	_ = 	snop  }
0x5: {  	_ = 	snop  }
0x6: {  	_ = 	snop  }
0x7: {  	_ = 	snop  }
__scs_overlays_trampoline_lowered:
0x8: {  	[smem:$0x3FA6] =	sst s0  }
0x9: {  	[smem:$0x3FA7] =	sst s1  }
0xa: {  	[smem:$0x3FA8] =	sst s2  }
0xb: {  	[smem:$0x3FA9] =	sst s3  }
0xc: {  	[smem:$0x3FAA] =	sst s4  }
0xd: {  	[smem:$0x3FAB] =	sst s5  }
0xe: {  	[smem:$0x3FAC] =	sst s6  }
0xf: {  	[smem:$0x3FAD] =	sst s7  }
0x10: {  	[smem:$0x3FAE] =	sst s8  }
0x11: {  	[smem:$0x3FAF] =	sst s9;
	s0 =	simm.s32 @!p0 $0x0  }
0x12: {  	s1 =	sld [smem:$0x3F95];
	s0 =	simm.s32 @p0 $0x1  }
0x13: {  	[smem:$0x3FB0] =	sst s0;
	s0 =	simm.s32 @!p1 $0x0  }
0x14: {  	s2 =	sld [smem:$0x3F94];
	s0 =	simm.s32 @p1 $0x1  }
0x15: {  	[smem:$0x3FB1] =	sst s0;
	s0 =	simm.s32 @!p2 $0x0  }
0x16: {  	s3 =	sld [smem:$0x3FDB];
	s0 =	simm.s32 @p2 $0x1  }
0x17: {  	s4 =	simm.s32 $0x1BF5;
	[smem:$0x3FB3] =	sst s0  }
0x18: {  	s0 =	sld [smem:$0x3F96];
	_ =	swait.ge [sflag:s4], $0x0  }
0x19: {  	s7 =	sld [smem:$0x3F97]  }
0x1a: {  	s8 =	sadd.s32 $0xFFFFE003, lr  }
0x1b: {  	s9 =	sadd.s32 $0xFFFFFEF7, lr;
	s5 =	simm.s32 $0xFFFFFFFF;
	p2 =	slt.u32 s8, $0xFFFFF086  }
0x1c: {  	p1 =	slt.u32 s9, $0xF7A;
	s5 =	simm.s32 @!p2 $0x0  }
0x1d: {  	s5 =	simm.s32 @p1 $0x1;
	p0 =	seq.s32 s7, s2  }
0x1e: {  	s7 =	smul.u32 @!p0 $0xF7A, s2;
	p2 =	seq.s32 @!p0 s5, $0x0  }
0x1f: {  	s9 =	smul.u32 $0xF7A, s1;
	s8 =	simm.s32 @!p0 $0x1BF5;
	p2 =	por !p2, p0  }
0x20: {  	[sflag:s8] =	ssyncset.s32 @!p0 $0xFFFFF086;
	s6 =	sadd.s32 @!p0 s3, s7;
	s7 =	simm.s32 @!p0 $0x108  }
0x21: {  	s3 =	sadd.s32 s3, s9;
	s6 =	sadd.s32 @!p0 $0x88, s6;
	s7 =	simm.s32 @p2 $0x1082  }
0x22: {  	[simem:s7], [sflag:s8] =	dma.local @!p0 [hbm:s6], $0xF7A  }
0x23: {  	s9 =	sor.u32 $0xD0000000, s2;
	s6 =	simm.s32 $0x108;
	_ =	swait.ge @!p0 [sflag:s8], $0x0  }
0x24: {  	s3 =	sadd.s32 $0x88, s3;
	s6 =	simm.s32 @!p1 $0x1082;
	[sflag:s4] =	ssyncset.s32 $0xFFFFF086  }
0x25: {  	[simem:s6], [sflag:s4] =	dma.local [hbm:s3], $0xF7A  }
0x26: {  	[smem:$0x3F97] =	sst s1;
	(tag) =	ssettag s2;
	_ =	strace s9  }
0x27: {  	s1 =	sld [smem:$0x3FA7]  }
0x28: {  	s2 =	sld [smem:$0x3FA8]  }
0x29: {  	s4 =	sld [smem:$0x3FAA]  }
0x2a: {  	p0 =	seq.s32 s5, $0x0;
	s5 =	sld [smem:$0x3FAB]  }
0x2b: {  	s6 =	sld [smem:$0x3FAC]  }
0x2c: {  	s7 =	sld [smem:$0x3FAD]  }
0x2d: {  	s3 =	simm.s32 $0x108;
	s8 =	sld [smem:$0x3FAE]  }
0x2e: {  	s3 =	simm.s32 @!p0 $0x1082;
	s9 =	sld [smem:$0x3FAF]  }
0x2f: {  	lr =	sadd.s32 s0, s3;
	s0 =	sld [smem:$0x3FA6]  }
0x30: {  	s3 =	sld [smem:$0x3FA9]  }
0x31: {  	[smem:$0x3FB2] =	sst s10  }
0x32: {  	s10 =	sld [smem:$0x3FB0];
	_ =	sdelay $0x3  }
0x33: {  	p0 =	seq.s32 s10, $0x1;
	s10 =	sld [smem:$0x3FB2];
	_ =	sdelay $0x3  }
0x34: {  	[smem:$0x3FB2] =	sst s10  }
0x35: {  	s10 =	sld [smem:$0x3FB1];
	_ =	sdelay $0x3  }
0x36: {  	p1 =	seq.s32 s10, $0x1;
	s10 =	sld [smem:$0x3FB2];
	_ =	sdelay $0x3  }
0x37: {  	[smem:$0x3FB2] =	sst s10  }
0x38: {  	s10 =	sld [smem:$0x3FB3]  }
0x39: {  	_ = 	snop;
	(pc) =	sbr.ind lr, $3  }
0x3a: {  	_ = 	snop  }
0x3b: {  	_ = 	snop  }
0x3c: {  	p2 =	seq.s32 s10, $0x1;
	s10 =	sld [smem:$0x3FB2]  }
0x3d: {  	_ =	shalt  }
0x3e: {  	_ =	shalt  }
0x3f: {  	_ =	shalt  }
0x40: {  	_ =	shalt  }
0x41: {  	_ =	shalt  }
0x42: {  	_ =	shalt  }
0x43: {  	_ =	shalt  }
0x44: {  	_ =	shalt  }
0x45: {  	_ =	shalt  }
0x46: {  	_ =	shalt  }
0x47: {  	_ =	shalt  }
0x48: {  	_ =	shalt  }
0x49: {  	_ =	shalt  }
0x4a: {  	_ =	shalt  }
0x4b: {  	_ =	shalt  }
0x4c: {  	_ =	shalt  }
0x4d: {  	_ =	shalt  }
0x4e: {  	_ =	shalt  }
0x4f: {  	_ =	shalt  }
0x50: {  	_ =	shalt  }
0x51: {  	_ =	shalt  }
0x52: {  	_ =	shalt  }
0x53: {  	_ =	shalt  }
0x54: {  	_ =	shalt  }
0x55: {  	_ =	shalt  }
0x56: {  	_ =	shalt  }
0x57: {  	_ =	shalt  }
0x58: {  	_ =	shalt  }
0x59: {  	_ =	shalt  }
0x5a: {  	_ =	shalt  }
0x5b: {  	_ =	shalt  }
0x5c: {  	_ =	shalt  }
0x5d: {  	_ =	shalt  }
0x5e: {  	_ =	shalt  }
0x5f: {  	_ =	shalt  }
0x60: {  	_ =	shalt  }
0x61: {  	_ =	shalt  }
0x62: {  	_ =	shalt  }
0x63: {  	_ =	shalt  }
0x64: {  	_ =	shalt  }
0x65: {  	_ =	shalt  }
0x66: {  	_ =	shalt  }
0x67: {  	_ =	shalt  }
0x68: {  	_ =	shalt  }
0x69: {  	_ =	shalt  }
0x6a: {  	_ =	shalt  }
0x6b: {  	_ =	shalt  }
0x6c: {  	_ =	shalt  }
0x6d: {  	_ =	shalt  }
0x6e: {  	_ =	shalt  }
0x6f: {  	_ =	shalt  }
0x70: {  	_ =	shalt  }
0x71: {  	_ =	shalt  }
0x72: {  	_ =	shalt  }
0x73: {  	_ =	shalt  }
0x74: {  	_ =	shalt  }
0x75: {  	_ =	shalt  }
0x76: {  	_ =	shalt  }
0x77: {  	_ =	shalt  }
0x78: {  	_ =	shalt  }
0x79: {  	_ =	shalt  }
0x7a: {  	_ =	shalt  }
0x7b: {  	_ =	shalt  }
0x7c: {  	_ =	shalt  }
0x7d: {  	_ =	shalt  }
0x7e: {  	_ =	shalt  }
0x7f: {  	_ =	shalt  }
0x80: {  	_ =	shalt  }
0x81: {  	_ =	shalt  }
0x82: {  	_ =	shalt  }
0x83: {  	_ =	shalt  }
0x84: {  	_ =	shalt  }
0x85: {  	_ =	shalt  }
0x86: {  	_ =	shalt  }
0x87: {  	_ =	shalt  }
.Lfunc_end0:
.L_simem_size_0:
called_computation_lowered:
.L_overlay_start_0:
0x88: {  	s2 =	sld [smem:$0x3FD9]  }
0x89: {  	s3 =	sld [smem:$0x3FFE];
	_ =	sdelay $0x1  }
0x8a: {  	s1 =	srdreg.scid  }
0x8b: {  	s0 =	sand.u32 $0x1, s1  }
0x8c: {  	s17 =	sshll.u32 s0, $0xA;
	s2 =	sadd.s32 s3, s2  }
0x8d: {  	s2 =	sadd.s32 s2, s17  }
0x8e: {  	[smem:$0x3FBE] =	sst s2  }
0x8f: {  	_ = 	snop  }
0x90: {  	s18 =	sld [smem:$0x3FD0];
	(tm) =	ssettm $0x1  }
0x91: {  	s19 =	sld [smem:$0x3FFB];
	_ =	sdelay $0x3  }
0x92: {  	_ =	strace s19  }
0x93: {  	s2 =	sld [smem:$0x3FFC];
	_ =	sdelay $0x3  }
0x94: {  	_ =	strace s2  }
0x95: {  	s2 =	sld [smem:$0x3FFD];
	_ =	sdelay $0x3  }
0x96: {  	_ =	strace s2  }
0x97: {  	_ =	strace $0x8FFFFFFF  }
0x98: {  	s20 =	sld [smem:$0x3FDB];
	_ =	sdelay $0x1  }
0x99: {  	s4 =	simm.s32 $_scs_section_size  }
0x9a: {  	s5 =	simm.s32 $_size__tile_overlayer_lowered;
	s6 =	simm.s32 $_tile_overlayer_lowered  }
0x9b: {  	s7 =	simm.s32 $0x1BFF;
	s21 =	sshll.u32 s6, $0x1;
	s4 =	sadd.s32 s4, s20  }
0x9c: {  	s22 =	simm.s32 $0x0;
	s5 =	sshll.u32 s5, $0x1;
	s6 =	sadd.s32 s21, s4  }
0x9d: {  	[timem:s22], [sflag:s7] =	dma.local [hbm:s6], s5  }
0x9e: {  	_ =	swait.ge [sflag:s7], s5  }
0x9f: {  	s5 =	ssub.s32 $0x0, s5;
	[sflag:s7] =	ssyncset.done $0x0  }
0xa0: {  	[sflag:s7] =	ssyncadd.s32 s5;
	_ =	sdelay $0x1  }
0xa1: {  	s23 =	simm.s32 $0x1B8B  }
0xa2: {  	_ =	swait.ge [sflag:s23], $0x1  }
0xa3: {  	[sflag:s23] =	ssyncset.done $0x0  }
0xa4: {  	[sflag:s23] =	ssyncadd.s32 $0xFFFFFFFF  }
0xa5: {  	s5 =	sld [smem:$0x0]  }
0xa6: {  	s6 =	sand.u32 $0xFFFFFFFE, s1  }
0xa7: {  	p0 =	sne.s32 s1, s6  }
0xa8: {  	s6 =	sshll.u32 @p0 s6, $0xE  }
0xa9: {  	s6 =	sadd.s32 @p0 $0x11B8D, s6;
	s7 =	sshll.u32 @p0 s5, $0x11  }
0xaa: {  	s6 =	sor.u32 @p0 s7, s6  }
0xab: {  	[sflag:s6] =	ssyncadd.remote.s32 @p0 $0x1;
	_ =	sdelay $0x1  }
0xac: {  	s6 =	simm.s32 @p0 $0x1B8D  }
0xad: {  	_ =	swait.eq @p0 [sflag:s6], $0x1  }
0xae: {  	[sflag:s6] =	ssyncadd.s32 @p0 $0xFFFFFFFF  }
0xaf: {  	s7 =	sshll.u32 @!p0 s1, $0xE  }
0xb0: {  	s7 =	sor.u32 @!p0 $0x4000, s7;
	s6 =	simm.s32 @!p0 $0x1B8D  }
0xb1: {  	s5 =	sshll.u32 @!p0 s5, $0x11;
	s7 =	sadd.s32 @!p0 $0x11B8D, s7;
	_ =	swait.eq @!p0 [sflag:s6], $0x1  }
0xb2: {  	s5 =	sor.u32 @!p0 s5, s7;
	[sflag:s6] =	ssyncadd.s32 @!p0 $0xFFFFFFFF  }
0xb3: {  	s25 =	simm.s32 $0x1B8E;
	s24 =	sld [smem:$0x3FFE];
	[sflag:s5] =	ssyncadd.remote.s32 @!p0 $0x1  }
0xb4: {  	s26 =	simm.s32 $execute0_lowered;
	[smem:$0x3FD2] =	sst s25  }
0xb5: {  	s6 =	sshll.u32 s26, $0x1;
	_ =	strace $0x80000049;
	[dreg:$0x1] =	wrdreg $0xFFFFFFFF  }
0xb6: {  	s28 =	simm.s32 $_size_execute0_lowered;
	s4 =	sadd.s32 s4, s6;
	[dreg:$0x0] =	wrdreg $0x0  }
0xb7: {  	s6 =	sshll.u32 s28, $0x1;
	[dreg:$0x2] =	wrdreg s4  }
0xb8: {  	[dreg:$0x3] =	wrdreg s6  }
0xb9: {  	[dreg:$0x4] =	wrdreg $0xC0  }
0xba: {  	_ =	task [dreg:s22], $0x5FFFF  }
0xbb: {  	[dreg:$0x1] =	wrdreg $0xFFFFFFFF  }
0xbc: {  	[dreg:$0x0] =	wrdreg $0x60  }
0xbd: {  	[dreg:$0x2] =	wrdreg s24  }
0xbe: {  	[dreg:$0x3] =	wrdreg s18  }
0xbf: {  	[dreg:$0x4] =	wrdreg $0x0  }
0xc0: {  	[dreg:$0x5] =	wrdreg $0x9  }
0xc1: {  	_ =	task.clear_ibuf [dreg:s22], $0x6FFFF;
	_ =	strace $0x90000049  }
0xc2: {  	s29 =	simm.s32 $0x9;
	_ =	strace $0x8000004B  }
0xc3: {  	_ =	swait.ge [sflag:s29], $0x1  }
0xc4: {  	[sflag:s29] =	ssyncadd.s32 $0xFFFFFFFF  }
0xc5: {  	_ =	strace $0x9000004B  }
0xc6: {  	_ =	sfence  }
0xc7: {  	s30 =	sld [smem:$0x0];
	_ =	sdelay $0x2  }
0xc8: {  	s31 =	sshll.u32 s1, $0xD;
	s1 =	sshrl.u32 s1, $0x2  }
0xc9: {  	s4 =	sand.u32 $0x4000, s31;
	s1 =	sadd.s32 s1, s30  }
0xca: {  	s0 =	sor.u32 s4, s0;
	s1 =	sshll.u32 s1, $0x11  }
0xcb: {  	s0 =	sor.u32 s1, s0  }
0xcc: {  	s0 =	sadd.s32 $0x8F2B, s0  }
0xcd: {  	[sflag:s0] =	ssyncadd.remote.s32 $0x1  }
0xce: {  	_ =	sfence.sel $0xFFFF  }
0xcf: {  	[dreg:$0x0] =	wrdreg $0xFFFFFFFF;
	(pc) =	sbr.abs _section_cstart, $3  }
0xd0: {  	[dreg:$0x1] =	wrdreg $0xFFFFFFFF  }
0xd1: {  	_ =	task.clear_ibuf [dreg:s22], $0x2FFFF;
	_ =	strace $0x9FFFFFFF  }
0xd2: {  	(tm) =	ssettm $0x7FFFFFFF  }
0xd3: {  	_ =	shalt  }
tec
execute0_lowered:
.L_overlay_start_1:
0x0: {  	(tag) =	ssettag $0x1  }
0x1: {  	s6 =	rddreg [dreg:$0x0]  }
0x2: {  	s2 =	rddreg [dreg:$0x1]  }
0x3: {  	s0 =	srdreg.scid;
	s3 =	rddreg [dreg:$0x2];
	s4 =	simm.s32 $0x0  }
0x4: {  	s13 =	simm.s32 $0x5000;
	s14 =	simm.s32 $0x7D;
	s15 =	simm.s32 $0x1  }
0x5: {  	s16 =	simm.s32 $0x0;
	s5 =	sand.u32 $0x1, s0;
	s0 =	stileid.u32  }
0x6: {  	[smem:$0x7FF] =	sst s4;
	s1 =	sshll.u32 s5, $0x4;
	s8 =	smul.u32 $0x2800, s0  }
0x7: {  	s9 =	smul.u32 $0x28000, s5;
	s5 =	ssub.s32 $0x2, s5;
	s1 =	sor.u32 s0, s1  }
0x8: {  	s31 =	sshll.u32 s0, $0x6;
	s30 =	sshrl.u32 s5, $0x1;
	s7 =	smul.u32 $0x500, s1  }
0x9: {  	s1 =	rddreg [dreg:$0x3];
	_ =	strace $0x8000004A;
	s9 =	sadd.s32 s8, s9  }
0xa: {  	s10 =	sshrl.u32 s8, $0x3;
	s11 =	ssub.s32 s5, s30;
	s12 =	sadd.s32 s8, s3  }
0xb: {  	s9 =	sshrl.u32 s9, $0x3;
	s10 =	sadd.s32 s10, s6;
	s7 =	sadd.s32 s7, s6  }
0xc: {  	s9 =	sadd.s32 s9, s6;
	s5 =	sadd.s32 $0x51200, s10;
	s6 =	sor.u32 $0x1C02, s31  }
0xd: {  	s10 =	sshrl.u32 s12, $0x3;
	s12 =	simm.s32 $0x2800;
	s7 =	sadd.s32 $0x47200, s7  }
0xe: {  	s8 =	sadd.s32 $0x56200, s9;
	s9 =	smax.u32 s11, $0x1;
	s11 =	simm.s32 $0x2  }
.LBB2_1:
0xf: {  	[spmem:s10], [sflag:s6] =	dma.local [hbm:s5], $0x500  }
0x10: {  	_ =	swait.ge [sflag:s11], $0x500  }
0x11: {  	[sflag:s11] =	ssyncset.done $0x0  }
0x12: {  	[sflag:s11] =	ssyncadd.s32 $0xFFFFFB00  }
0x13: {  	[tilespmem:s12], [sflag:$0x2] =	stream.linear.gather [hbm4b:s7+s4], $0x2800, $0x38;
	[tilespmem:$0x57D0] =	vst v63  }
0x14: {  	_ =	swait.ge [sflag:s11], $0x2800  }
0x15: {  	[sflag:s11] =	ssyncset.done $0x0  }
0x16: {  	[sflag:s11] =	ssyncadd.s32 $0xFFFFD800  }
0x17: {  	[tilespmem:s13], [sflag:$0x2] =	stream.linear.gather [hbm4b:s2+s4], $0x7D0, $0x38;
	[tilespmem:$0x57D0] =	vst v63  }
0x18: {  	_ =	swait.ge [sflag:s11], $0x7D0  }
0x19: {  	[sflag:s11] =	ssyncset.done $0x0  }
0x1a: {  	[sflag:s11] =	ssyncadd.s32 $0xFFFFF830  }
0x1b: {  	s17 =	simm.s32 $0x0;
	[bflag:$0x0] =	sbarrier.arrive $0xFFFF  }
.LBB2_2:
0x1c: {  	p0 =	sne.s32 s17, $0x9E00  }
.Ltmp0:
0x1d: {  	_ = 	snop;
	(pc) =	sbr.rel @p0 .LBB2_2-.Ltmp0, $4  }
0x1e: {  	_ = 	snop  }
0x1f: {  	s18 =	sshra.s32 s17, $0x2  }
0x20: {  	s17 =	sadd.s32 $0x200, s17;
	s18 =	sadd.s32 $0x2800, s18  }
0x21: {  	[spmem:s3] =	stream.indirect.scatter.add.f32 [tilespmem:s13], [sflag:$0x1], $0x10, s18, s14, $0xb8;
	[tilespmem:$0x57D0] =	vst v63  }
0x22: {  	_ =	swait.ge [sflag:s15], $0x7D0  }
0x23: {  	s17 =	simm.s32 $0x4F;
	[sflag:s15] =	ssyncset.done $0x0  }
.LBB2_4:
0x24: {  	p0 =	sne.s32 s17, $0x1;
	s17 =	sadd.s32 $0xFFFFFFFF, s17;
	[sflag:s15] =	ssyncadd.s32 $0xFFFFF830  }
.Ltmp1:
0x25: {  	(pc) =	sbr.rel @p0 .LBB2_4-.Ltmp1, $3  }
0x26: {  	_ =	sdelay $0x1  }
0x27: {  	_ =	swait.ge [sflag:s15], $0x7D0  }
0x28: {  	[sflag:s15] =	ssyncset.done $0x0  }
0x29: {  	s16 =	sadd.s32 $0x1, s16  }
0x2a: {  	[sflag:s15] =	ssyncadd.s32 $0xFFFFF830;
	p0 =	sne.s32 s16, s9  }
.Ltmp2:
0x2b: {  	[bflag:$0x0] =	sbarrier.arrive $0xFFFF;
	(pc) =	sbr.rel @p0 .LBB2_1-.Ltmp2, $4  }
0x2c: {  	[hbm:s8], [sflag:s6] =	dma.local [spmem:s10], $0x500  }
0x2d: {  	_ =	swait.ge [sflag:s11], $0x500  }
0x2e: {  	[sflag:s11] =	ssyncset.done $0x0  }
0x2f: {  	[sflag:s11] =	ssyncadd.s32 $0xFFFFFB00  }
0x30: {  	_ =	sfence.sel $0x180000  }
0x31: {  	[bflag:$0x0] =	sbarrier.arrive $0xFFFF  }
0x32: {  	p0 =	sne.s32 s0, $0x0;
	_ =	strace $0x9000004A  }
0x33: {  	s0 =	sadd.s32 @!p0 $0x100000, s1;
	[bflag:$0x2] =	sbarrier.arrive $0xFFFF  }
0x34: {  	[sflag:s0] =	ssyncadd.tile.s32 @!p0 $0x1;
	_ =	shalt  }
.Lfunc_end2:
_tile_overlayer_lowered:
.L_overlay_start_2:
0x35: {  	(tag) =	ssettag $0x2  }
0x36: {  	s0 =	rddreg [dreg:$0x0];
	s2 =	stileid.u32  }
0x37: {  	s1 =	rddreg [dreg:$0x1];
	p0 =	sne.s32 s2, $0x0  }
0x38: {  	s3 =	rddreg [dreg:$0x2];
	[bflag:$0x3] =	sbarrier.arrive $0xFFFF;
	s2 =	simm.s32 @!p0 $0x1C02  }
0x39: {  	[timem:s3], [sflag:s2] =	dma.local @!p0 [hbm:s0], s1  }
0x3a: {  	s0 =	simm.s32 @!p0 $0x2  }
0x3b: {  	_ =	swait.ge @!p0 [sflag:s0], s1  }
0x3c: {  	s1 =	ssub.s32 @!p0 $0x0, s1;
	[sflag:s0] =	ssyncset.done @!p0 $0x0  }
0x3d: {  	[sflag:s0] =	ssyncadd.s32 @!p0 s1  }
0x3e: {  	[bflag:$0x3] =	sbarrier.arrive $0xFFFF  }
0x3f: {  	_ =	shalt  }

</sc_bundles>
